<compile_context>
chip_gen: v7x
topology: tpu7x:2x2x1
jax: 0.10.2.dev20260603
libtpu: 0.0.44.dev20260713+nightly
codegen_flags: <defaults>
</compile_context>

<pallas_src>
import functools

import jax
import jax.numpy as jnp
from jax import lax
from jax.experimental import pallas as pl
from jax.experimental.pallas import tpu as pltpu
from jax.experimental.pallas import tpu_sc as plsc

E_OLD = 640000
E_KEPT = 320000
D = 128

NC = 2
NS = 16
NW = NC * NS
CPW = E_OLD // NW
CCH = 5000
KPW = E_KEPT // NW
SCAT = 80
NCHUNK = KPW // SCAT
BLK = 5
NBLK = NCHUNK // BLK
KB = BLK * SCAT

_mesh = plsc.VectorSubcoreMesh(core_axis_name="c", subcore_axis_name="s")


COPY_ROWS = 12800


def _copy_body(old_ref, out_ref):
    out_ref[...] = old_ref[...]


def _copy(old_features):
    return pl.pallas_call(
        _copy_body,
        grid=(E_OLD // COPY_ROWS,),
        in_specs=[pl.BlockSpec((COPY_ROWS, D), lambda i: (i, 0))],
        out_specs=pl.BlockSpec((COPY_ROWS, D), lambda i: (i, 0)),
        out_shape=jax.ShapeDtypeStruct((E_OLD, D), jnp.float32),
    )(old_features)


def _scatter_body(mask3_hbm, kept_hbm, out_hbm, idx_v, buf0, buf1,
                  sem_l, sem_s):
    wid = lax.axis_index("s") * NC + lax.axis_index("c")
    pltpu.sync_copy(mask3_hbm.at[wid], idx_v)

    def kept_at(b):
        off = pl.multiple_of(wid * KPW + lax.min(b, NBLK - 1) * KB, 8)
        return kept_hbm.at[pl.ds(off, KB)]

    def fire(buf, b):
        return [pltpu.async_copy(buf.at[pl.ds(c * SCAT, SCAT)],
                                 out_hbm.at[idx_v.at[b * BLK + c]], sem_s)
                for c in range(BLK)]

    pltpu.async_copy(kept_at(0), buf0, sem_l)

    def pair(g, _):
        b0 = 2 * g
        pltpu.make_async_copy(kept_at(b0), buf0, sem_l).wait()
        h1 = pltpu.async_copy(kept_at(b0 + 1), buf1, sem_l)
        s0 = fire(buf0, b0)
        h1.wait()
        for h in s0:
            h.wait()
        pltpu.async_copy(kept_at(b0 + 2), buf0, sem_l)
        s1 = fire(buf1, b0 + 1)
        for h in s1:
            h.wait()
        return 0

    lax.fori_loop(0, NBLK // 2, pair, 0)
    last = NBLK - 1
    pltpu.make_async_copy(kept_at(last), buf0, sem_l).wait()
    for h in fire(buf0, last):
        h.wait()


_scatter = functools.partial(
    pl.kernel,
    mesh=_mesh,
    out_type=(),
    scratch_types=[
        pltpu.VMEM((NCHUNK, SCAT), jnp.int32),
        pltpu.VMEM((KB, D), jnp.float32),
        pltpu.VMEM((KB, D), jnp.float32),
        pltpu.SemaphoreType.DMA,
        pltpu.SemaphoreType.DMA,
    ],
)(_scatter_body)


def kernel(old_features, mask_idx, kept_features, edge_index_old):
    mask3 = mask_idx.reshape(NW, NCHUNK, SCAT)
    copied = _copy(old_features)
    out_ref = jax.new_ref(copied)
    _scatter(mask3, kept_features, out_ref)
    return out_ref[...], edge_index_old

# --- scband reference (transcript-rebuilt; emitter-appended) ---
"""Pipeline reference for scband-up-sample-36945308680561 (READ-ONLY COPY).

The authoritative reference and input builder live on the scoring server;
editing this copy changes nothing except your own understanding.
"""

import jax, jax.numpy as jnp
import numpy as np

E_OLD = 640000
E_KEPT = 320000
D = 128
N_NODES = 10000


def setup_inputs(seed: int = 0) -> dict:
    key = jax.random.key(seed)
    k1, k2, k3, k4 = jax.random.split(key, 4)
    # Full (pre-downsample) edge feature tensor that was stashed.
    old_features = jax.random.normal(k1, (E_OLD, D), dtype=jnp.float32)
    # Current (downsampled/processed) edge features to scatter back.
    kept_features = jax.random.normal(k2, (E_KEPT, D), dtype=jnp.float32)
    # Mask of kept edge positions, as sorted unique indices into [0, E_OLD).
    perm = jax.random.permutation(k3, E_OLD)
    mask_idx = jnp.sort(perm[:E_KEPT])
    # Stashed full edge_index, restored verbatim.
    edge_index_old = jax.random.randint(k4, (2, E_OLD), 0, N_NODES)
    return {
        "old_features": old_features,
        "mask_idx": mask_idx,
        "kept_features": kept_features,
        "edge_index_old": edge_index_old,
    }


def reference(old_features, mask_idx, kept_features, edge_index_old):
    # Faithful translation of UpSample.restore_edgeset:
    #   features_restored = stashed_data['old']['features']
    #   features_restored[mask] = edgeset.features   (scatter-overwrite)
    #   edgeset.edge_index = stashed_data['old']['edge_index']
    restored_features = old_features.at[mask_idx].set(kept_features)
    restored_edge_index = edge_index_old
    return restored_features, restored_edge_index

if __name__ == "__main__":
    import jax
    _d = setup_inputs()
    print(jax.jit(kernel)(*tuple(_d.values())))

</pallas_src>

<mosaic_0001>
#map = affine_map<(d0, d1) -> (0, 0, 0)>
#map1 = affine_map<(d0, d1) -> (0, 0)>
module attributes {stable_mosaic.version = 14 : i64} {
  func.func @new_body(%arg0: i32, %arg1: i32, %arg2: memref<32x125x80xi32, #tpu.memory_space<hbm>>, %arg3: memref<320000x128xf32, #tpu.memory_space<hbm>>, %arg4: memref<640000x128xf32, #tpu.memory_space<hbm>>, %arg5: memref<640000x128xf32, #tpu.memory_space<hbm>>, %arg6: memref<125x80xi32, #tpu.memory_space<vmem>>, %arg7: memref<400x128xf32, #tpu.memory_space<vmem>>, %arg8: memref<400x128xf32, #tpu.memory_space<vmem>>, %arg9: memref<!tpu.dma_semaphore, #tpu.memory_space<semaphore_mem>>, %arg10: memref<!tpu.dma_semaphore, #tpu.memory_space<semaphore_mem>>) attributes {dimension_semantics = [#tpu.dimension_semantics<core_parallel>, #tpu.dimension_semantics<subcore_parallel>], iteration_bounds = array<i64: 2, 16>, scalar_prefetch = 0 : i64, scratch_operands = 5 : i64, tpu.core_type = #tpu.core_type<sc_vector_subcore>, window_params = [{transform_indices = #map}, {transform_indices = #map1}, {transform_indices = #map1}, {transform_indices = #map1}]} {
    %mul3A = arith.constant 2 : i32
    %mul3A_0 = arith.muli %arg1, %mul3A : i32
    %add3A = arith.addi %mul3A_0, %arg0 : i32
    "tpu.region"() ({
      %run_scoped3A = tpu.sem_alloc : memref<!tpu.dma_semaphore, #tpu.memory_space<semaphore_mem>>
      %dma_start3A_129 = arith.constant 0 : i32
      %dma_start3A_130 = arith.constant 0 : i32
      %dma_start3A_131 = tpu.memref_slice %arg2[%add3A, %dma_start3A_129, %dma_start3A_130] : memref<32x125x80xi32, #tpu.memory_space<hbm>> -> memref<1x125x80xi32, #tpu.memory_space<hbm>>
      %dma_start3A_132 = tpu.memref_squeeze %dma_start3A_131 : memref<1x125x80xi32, #tpu.memory_space<hbm>> -> memref<125x80xi32, #tpu.memory_space<hbm>>
      %dma_start3A_133 = arith.constant 0 : i32
      %dma_start3A_134 = arith.constant 0 : i32
      %dma_start3A_135 = tpu.memref_slice %arg2[%add3A, %dma_start3A_133, %dma_start3A_134] : memref<32x125x80xi32, #tpu.memory_space<hbm>> -> memref<1x125x80xi32, #tpu.memory_space<hbm>>
      %dma_start3A_136 = tpu.memref_squeeze %dma_start3A_135 : memref<1x125x80xi32, #tpu.memory_space<hbm>> -> memref<125x80xi32, #tpu.memory_space<hbm>>
      tpu.enqueue_dma source(%dma_start3A_136 : memref<125x80xi32, #tpu.memory_space<hbm>>) target(%arg6 : memref<125x80xi32, #tpu.memory_space<vmem>>) target_semaphore(%run_scoped3A : memref<!tpu.dma_semaphore, #tpu.memory_space<semaphore_mem>>)
      %dma_wait3A_137 = arith.constant 0 : i32
      %dma_wait3A_138 = arith.constant 0 : i32
      %dma_wait3A_139 = tpu.memref_slice %arg2[%add3A, %dma_wait3A_137, %dma_wait3A_138] : memref<32x125x80xi32, #tpu.memory_space<hbm>> -> memref<1x125x80xi32, #tpu.memory_space<hbm>>
      %dma_wait3A_140 = tpu.memref_squeeze %dma_wait3A_139 : memref<1x125x80xi32, #tpu.memory_space<hbm>> -> memref<125x80xi32, #tpu.memory_space<hbm>>
      %dma_wait3A_141 = arith.constant 0 : i32
      %dma_wait3A_142 = arith.constant 0 : i32
      %dma_wait3A_143 = tpu.memref_slice %arg2[%add3A, %dma_wait3A_141, %dma_wait3A_142] : memref<32x125x80xi32, #tpu.memory_space<hbm>> -> memref<1x125x80xi32, #tpu.memory_space<hbm>>
      %dma_wait3A_144 = tpu.memref_squeeze %dma_wait3A_143 : memref<1x125x80xi32, #tpu.memory_space<hbm>> -> memref<125x80xi32, #tpu.memory_space<hbm>>
      tpu.wait_dma2 semaphore(%run_scoped3A : memref<!tpu.dma_semaphore, #tpu.memory_space<semaphore_mem>>) src(%dma_wait3A_144 : memref<125x80xi32, #tpu.memory_space<hbm>>) dst(%arg6 : memref<125x80xi32, #tpu.memory_space<vmem>>)
      tpu.yield
    }) : () -> ()
    %mul3A_1 = arith.constant 10000 : i32
    %mul3A_2 = arith.muli %add3A, %mul3A_1 : i32
    %min3A = arith.constant 0 : i32
    %min3A_3 = arith.constant 24 : i32
    %min3A_4 = arith.minsi %min3A, %min3A_3 : i32
    %mul3A_5 = arith.constant 400 : i32
    %mul3A_6 = arith.muli %min3A_4, %mul3A_5 : i32
    %add3A_7 = arith.addi %mul3A_2, %mul3A_6 : i32
    %multiple_of3A = tpu.assume_multiple %add3A_7, 8 : i32
    %dma_start3A = arith.constant 0 : i32
    %dma_start3A_8 = tpu.memref_slice %arg3[%multiple_of3A, %dma_start3A] : memref<320000x128xf32, #tpu.memory_space<hbm>> -> memref<400x128xf32, #tpu.memory_space<hbm>>
    %dma_start3A_9 = arith.constant 0 : i32
    %dma_start3A_10 = tpu.memref_slice %arg3[%multiple_of3A, %dma_start3A_9] : memref<320000x128xf32, #tpu.memory_space<hbm>> -> memref<400x128xf32, #tpu.memory_space<hbm>>
    tpu.enqueue_dma source(%dma_start3A_10 : memref<400x128xf32, #tpu.memory_space<hbm>>) target(%arg7 : memref<400x128xf32, #tpu.memory_space<vmem>>) target_semaphore(%arg9 : memref<!tpu.dma_semaphore, #tpu.memory_space<semaphore_mem>>)
    %scan3A = arith.constant 0 : i32
    %scan3A_11 = arith.constant 0 : i32
    %scan3A_12 = arith.constant 12 : i32
    %scan3A_13 = arith.addi %scan3A_11, %scan3A_12 : i32
    %scan3A_14 = arith.constant 1 : i32
    %scan3A_15 = scf.for %scan3A_129 = %scan3A_11 to %scan3A_13 step %scan3A_14 iter_args(%scan3A_130 = %scan3A) -> (i32)  : i32 {
      %mul3A_131 = arith.constant 2 : i32
      %mul3A_132 = arith.muli %mul3A_131, %scan3A_129 : i32
      %mul3A_133 = arith.constant 10000 : i32
      %mul3A_134 = arith.muli %add3A, %mul3A_133 : i32
      %min3A_135 = arith.constant 24 : i32
      %min3A_136 = arith.minsi %mul3A_132, %min3A_135 : i32
      %mul3A_137 = arith.constant 400 : i32
      %mul3A_138 = arith.muli %min3A_136, %mul3A_137 : i32
      %add3A_139 = arith.addi %mul3A_134, %mul3A_138 : i32
      %multiple_of3A_140 = tpu.assume_multiple %add3A_139, 8 : i32
      %dma_wait3A_141 = arith.constant 0 : i32
      %dma_wait3A_142 = tpu.memref_slice %arg3[%multiple_of3A_140, %dma_wait3A_141] : memref<320000x128xf32, #tpu.memory_space<hbm>> -> memref<400x128xf32, #tpu.memory_space<hbm>>
      %dma_wait3A_143 = arith.constant 0 : i32
      %dma_wait3A_144 = tpu.memref_slice %arg3[%multiple_of3A_140, %dma_wait3A_143] : memref<320000x128xf32, #tpu.memory_space<hbm>> -> memref<400x128xf32, #tpu.memory_space<hbm>>
      tpu.wait_dma2 semaphore(%arg9 : memref<!tpu.dma_semaphore, #tpu.memory_space<semaphore_mem>>) src(%dma_wait3A_144 : memref<400x128xf32, #tpu.memory_space<hbm>>) dst(%arg7 : memref<400x128xf32, #tpu.memory_space<vmem>>)
      %add3A_145 = arith.constant 1 : i32
      %add3A_146 = arith.addi %mul3A_132, %add3A_145 : i32
      %mul3A_147 = arith.constant 10000 : i32
      %mul3A_148 = arith.muli %add3A, %mul3A_147 : i32
      %min3A_149 = arith.constant 24 : i32
      %min3A_150 = arith.minsi %add3A_146, %min3A_149 : i32
      %mul3A_151 = arith.constant 400 : i32
      %mul3A_152 = arith.muli %min3A_150, %mul3A_151 : i32
      %add3A_153 = arith.addi %mul3A_148, %mul3A_152 : i32
      %multiple_of3A_154 = tpu.assume_multiple %add3A_153, 8 : i32
      %dma_start3A_155 = arith.constant 0 : i32
      %dma_start3A_156 = tpu.memref_slice %arg3[%multiple_of3A_154, %dma_start3A_155] : memref<320000x128xf32, #tpu.memory_space<hbm>> -> memref<400x128xf32, #tpu.memory_space<hbm>>
      %dma_start3A_157 = arith.constant 0 : i32
      %dma_start3A_158 = tpu.memref_slice %arg3[%multiple_of3A_154, %dma_start3A_157] : memref<320000x128xf32, #tpu.memory_space<hbm>> -> memref<400x128xf32, #tpu.memory_space<hbm>>
      tpu.enqueue_dma source(%dma_start3A_158 : memref<400x128xf32, #tpu.memory_space<hbm>>) target(%arg8 : memref<400x128xf32, #tpu.memory_space<vmem>>) target_semaphore(%arg9 : memref<!tpu.dma_semaphore, #tpu.memory_space<semaphore_mem>>)
      %mul3A_159 = arith.constant 5 : i32
      %mul3A_160 = arith.muli %mul3A_132, %mul3A_159 : i32
      %add3A_161 = arith.constant 0 : i32
      %add3A_162 = arith.addi %mul3A_160, %add3A_161 : i32
      %dma_start3A_163 = arith.constant 0 : i32
      %dma_start3A_164 = arith.constant 0 : i32
      %dma_start3A_165 = tpu.memref_slice %arg7[%dma_start3A_163, %dma_start3A_164] : memref<400x128xf32, #tpu.memory_space<vmem>> -> memref<80x128xf32, #tpu.memory_space<vmem>>
      %dma_start3A_166 = arith.constant 0 : i32
      %dma_start3A_167 = tpu.memref_slice %arg6[%add3A_162, %dma_start3A_166] : memref<125x80xi32, #tpu.memory_space<vmem>> -> memref<1x80xi32, #tpu.memory_space<vmem>>
      %dma_start3A_168 = tpu.memref_squeeze %dma_start3A_167 : memref<1x80xi32, #tpu.memory_space<vmem>> -> memref<80xi32, #tpu.memory_space<vmem>>
      %dma_start3A_169 = arith.constant 0 : i32
      %dma_start3A_170 = arith.constant 0 : i32
      %dma_start3A_171 = tpu.memref_slice %arg4[%dma_start3A_169, %dma_start3A_170] : memref<640000x128xf32, #tpu.memory_space<hbm>> -> memref<640000x128xf32, #tpu.memory_space<hbm>>
      tpu.enqueue_indirect_dma source(%dma_start3A_165 : memref<80x128xf32, #tpu.memory_space<vmem>>) target(%dma_start3A_171 : memref<640000x128xf32, #tpu.memory_space<hbm>>) offsets(%dma_start3A_168 : memref<80xi32, #tpu.memory_space<vmem>>) semaphore(%arg10 : memref<!tpu.dma_semaphore, #tpu.memory_space<semaphore_mem>>)
      %mul3A_172 = arith.constant 5 : i32
      %mul3A_173 = arith.muli %mul3A_132, %mul3A_172 : i32
      %add3A_174 = arith.constant 1 : i32
      %add3A_175 = arith.addi %mul3A_173, %add3A_174 : i32
      %dma_start3A_176 = arith.constant 80 : i32
      %dma_start3A_177 = arith.constant 0 : i32
      %dma_start3A_178 = tpu.memref_slice %arg7[%dma_start3A_176, %dma_start3A_177] : memref<400x128xf32, #tpu.memory_space<vmem>> -> memref<80x128xf32, #tpu.memory_space<vmem>>
      %dma_start3A_179 = arith.constant 0 : i32
      %dma_start3A_180 = tpu.memref_slice %arg6[%add3A_175, %dma_start3A_179] : memref<125x80xi32, #tpu.memory_space<vmem>> -> memref<1x80xi32, #tpu.memory_space<vmem>>
      %dma_start3A_181 = tpu.memref_squeeze %dma_start3A_180 : memref<1x80xi32, #tpu.memory_space<vmem>> -> memref<80xi32, #tpu.memory_space<vmem>>
      %dma_start3A_182 = arith.constant 0 : i32
      %dma_start3A_183 = arith.constant 0 : i32
      %dma_start3A_184 = tpu.memref_slice %arg4[%dma_start3A_182, %dma_start3A_183] : memref<640000x128xf32, #tpu.memory_space<hbm>> -> memref<640000x128xf32, #tpu.memory_space<hbm>>
      tpu.enqueue_indirect_dma source(%dma_start3A_178 : memref<80x128xf32, #tpu.memory_space<vmem>>) target(%dma_start3A_184 : memref<640000x128xf32, #tpu.memory_space<hbm>>) offsets(%dma_start3A_181 : memref<80xi32, #tpu.memory_space<vmem>>) semaphore(%arg10 : memref<!tpu.dma_semaphore, #tpu.memory_space<semaphore_mem>>)
      %mul3A_185 = arith.constant 5 : i32
      %mul3A_186 = arith.muli %mul3A_132, %mul3A_185 : i32
      %add3A_187 = arith.constant 2 : i32
      %add3A_188 = arith.addi %mul3A_186, %add3A_187 : i32
      %dma_start3A_189 = arith.constant 160 : i32
      %dma_start3A_190 = arith.constant 0 : i32
      %dma_start3A_191 = tpu.memref_slice %arg7[%dma_start3A_189, %dma_start3A_190] : memref<400x128xf32, #tpu.memory_space<vmem>> -> memref<80x128xf32, #tpu.memory_space<vmem>>
      %dma_start3A_192 = arith.constant 0 : i32
      %dma_start3A_193 = tpu.memref_slice %arg6[%add3A_188, %dma_start3A_192] : memref<125x80xi32, #tpu.memory_space<vmem>> -> memref<1x80xi32, #tpu.memory_space<vmem>>
      %dma_start3A_194 = tpu.memref_squeeze %dma_start3A_193 : memref<1x80xi32, #tpu.memory_space<vmem>> -> memref<80xi32, #tpu.memory_space<vmem>>
      %dma_start3A_195 = arith.constant 0 : i32
      %dma_start3A_196 = arith.constant 0 : i32
      %dma_start3A_197 = tpu.memref_slice %arg4[%dma_start3A_195, %dma_start3A_196] : memref<640000x128xf32, #tpu.memory_space<hbm>> -> memref<640000x128xf32, #tpu.memory_space<hbm>>
      tpu.enqueue_indirect_dma source(%dma_start3A_191 : memref<80x128xf32, #tpu.memory_space<vmem>>) target(%dma_start3A_197 : memref<640000x128xf32, #tpu.memory_space<hbm>>) offsets(%dma_start3A_194 : memref<80xi32, #tpu.memory_space<vmem>>) semaphore(%arg10 : memref<!tpu.dma_semaphore, #tpu.memory_space<semaphore_mem>>)
      %mul3A_198 = arith.constant 5 : i32
      %mul3A_199 = arith.muli %mul3A_132, %mul3A_198 : i32
      %add3A_200 = arith.constant 3 : i32
      %add3A_201 = arith.addi %mul3A_199, %add3A_200 : i32
      %dma_start3A_202 = arith.constant 240 : i32
      %dma_start3A_203 = arith.constant 0 : i32
      %dma_start3A_204 = tpu.memref_slice %arg7[%dma_start3A_202, %dma_start3A_203] : memref<400x128xf32, #tpu.memory_space<vmem>> -> memref<80x128xf32, #tpu.memory_space<vmem>>
      %dma_start3A_205 = arith.constant 0 : i32
      %dma_start3A_206 = tpu.memref_slice %arg6[%add3A_201, %dma_start3A_205] : memref<125x80xi32, #tpu.memory_space<vmem>> -> memref<1x80xi32, #tpu.memory_space<vmem>>
      %dma_start3A_207 = tpu.memref_squeeze %dma_start3A_206 : memref<1x80xi32, #tpu.memory_space<vmem>> -> memref<80xi32, #tpu.memory_space<vmem>>
      %dma_start3A_208 = arith.constant 0 : i32
      %dma_start3A_209 = arith.constant 0 : i32
      %dma_start3A_210 = tpu.memref_slice %arg4[%dma_start3A_208, %dma_start3A_209] : memref<640000x128xf32, #tpu.memory_space<hbm>> -> memref<640000x128xf32, #tpu.memory_space<hbm>>
      tpu.enqueue_indirect_dma source(%dma_start3A_204 : memref<80x128xf32, #tpu.memory_space<vmem>>) target(%dma_start3A_210 : memref<640000x128xf32, #tpu.memory_space<hbm>>) offsets(%dma_start3A_207 : memref<80xi32, #tpu.memory_space<vmem>>) semaphore(%arg10 : memref<!tpu.dma_semaphore, #tpu.memory_space<semaphore_mem>>)
      %mul3A_211 = arith.constant 5 : i32
      %mul3A_212 = arith.muli %mul3A_132, %mul3A_211 : i32
      %add3A_213 = arith.constant 4 : i32
      %add3A_214 = arith.addi %mul3A_212, %add3A_213 : i32
      %dma_start3A_215 = arith.constant 320 : i32
      %dma_start3A_216 = arith.constant 0 : i32
      %dma_start3A_217 = tpu.memref_slice %arg7[%dma_start3A_215, %dma_start3A_216] : memref<400x128xf32, #tpu.memory_space<vmem>> -> memref<80x128xf32, #tpu.memory_space<vmem>>
      %dma_start3A_218 = arith.constant 0 : i32
      %dma_start3A_219 = tpu.memref_slice %arg6[%add3A_214, %dma_start3A_218] : memref<125x80xi32, #tpu.memory_space<vmem>> -> memref<1x80xi32, #tpu.memory_space<vmem>>
      %dma_start3A_220 = tpu.memref_squeeze %dma_start3A_219 : memref<1x80xi32, #tpu.memory_space<vmem>> -> memref<80xi32, #tpu.memory_space<vmem>>
      %dma_start3A_221 = arith.constant 0 : i32
      %dma_start3A_222 = arith.constant 0 : i32
      %dma_start3A_223 = tpu.memref_slice %arg4[%dma_start3A_221, %dma_start3A_222] : memref<640000x128xf32, #tpu.memory_space<hbm>> -> memref<640000x128xf32, #tpu.memory_space<hbm>>
      tpu.enqueue_indirect_dma source(%dma_start3A_217 : memref<80x128xf32, #tpu.memory_space<vmem>>) target(%dma_start3A_223 : memref<640000x128xf32, #tpu.memory_space<hbm>>) offsets(%dma_start3A_220 : memref<80xi32, #tpu.memory_space<vmem>>) semaphore(%arg10 : memref<!tpu.dma_semaphore, #tpu.memory_space<semaphore_mem>>)
      %dma_wait3A_224 = arith.constant 0 : i32
      %dma_wait3A_225 = tpu.memref_slice %arg3[%multiple_of3A_154, %dma_wait3A_224] : memref<320000x128xf32, #tpu.memory_space<hbm>> -> memref<400x128xf32, #tpu.memory_space<hbm>>
      %dma_wait3A_226 = arith.constant 0 : i32
      %dma_wait3A_227 = tpu.memref_slice %arg3[%multiple_of3A_154, %dma_wait3A_226] : memref<320000x128xf32, #tpu.memory_space<hbm>> -> memref<400x128xf32, #tpu.memory_space<hbm>>
      tpu.wait_dma2 semaphore(%arg9 : memref<!tpu.dma_semaphore, #tpu.memory_space<semaphore_mem>>) src(%dma_wait3A_227 : memref<400x128xf32, #tpu.memory_space<hbm>>) dst(%arg8 : memref<400x128xf32, #tpu.memory_space<vmem>>)
      %dma_wait3A_228 = arith.constant 0 : i32
      %dma_wait3A_229 = arith.constant 0 : i32
      %dma_wait3A_230 = tpu.memref_slice %arg7[%dma_wait3A_228, %dma_wait3A_229] : memref<400x128xf32, #tpu.memory_space<vmem>> -> memref<80x128xf32, #tpu.memory_space<vmem>>
      %dma_wait3A_231 = arith.constant 0 : i32
      %dma_wait3A_232 = tpu.memref_slice %arg6[%add3A_162, %dma_wait3A_231] : memref<125x80xi32, #tpu.memory_space<vmem>> -> memref<1x80xi32, #tpu.memory_space<vmem>>
      %dma_wait3A_233 = tpu.memref_squeeze %dma_wait3A_232 : memref<1x80xi32, #tpu.memory_space<vmem>> -> memref<80xi32, #tpu.memory_space<vmem>>
      %dma_wait3A_234 = arith.constant 0 : i32
      %dma_wait3A_235 = arith.constant 0 : i32
      %dma_wait3A_236 = tpu.memref_slice %arg4[%dma_wait3A_234, %dma_wait3A_235] : memref<640000x128xf32, #tpu.memory_space<hbm>> -> memref<640000x128xf32, #tpu.memory_space<hbm>>
      tpu.wait_indirect_dma semaphore(%arg10 : memref<!tpu.dma_semaphore, #tpu.memory_space<semaphore_mem>>) src(%dma_wait3A_230 : memref<80x128xf32, #tpu.memory_space<vmem>>) dst(%dma_wait3A_236 : memref<640000x128xf32, #tpu.memory_space<hbm>>)
      %dma_wait3A_237 = arith.constant 80 : i32
      %dma_wait3A_238 = arith.constant 0 : i32
      %dma_wait3A_239 = tpu.memref_slice %arg7[%dma_wait3A_237, %dma_wait3A_238] : memref<400x128xf32, #tpu.memory_space<vmem>> -> memref<80x128xf32, #tpu.memory_space<vmem>>
      %dma_wait3A_240 = arith.constant 0 : i32
      %dma_wait3A_241 = tpu.memref_slice %arg6[%add3A_175, %dma_wait3A_240] : memref<125x80xi32, #tpu.memory_space<vmem>> -> memref<1x80xi32, #tpu.memory_space<vmem>>
      %dma_wait3A_242 = tpu.memref_squeeze %dma_wait3A_241 : memref<1x80xi32, #tpu.memory_space<vmem>> -> memref<80xi32, #tpu.memory_space<vmem>>
      %dma_wait3A_243 = arith.constant 0 : i32
      %dma_wait3A_244 = arith.constant 0 : i32
      %dma_wait3A_245 = tpu.memref_slice %arg4[%dma_wait3A_243, %dma_wait3A_244] : memref<640000x128xf32, #tpu.memory_space<hbm>> -> memref<640000x128xf32, #tpu.memory_space<hbm>>
      tpu.wait_indirect_dma semaphore(%arg10 : memref<!tpu.dma_semaphore, #tpu.memory_space<semaphore_mem>>) src(%dma_wait3A_239 : memref<80x128xf32, #tpu.memory_space<vmem>>) dst(%dma_wait3A_245 : memref<640000x128xf32, #tpu.memory_space<hbm>>)
      %dma_wait3A_246 = arith.constant 160 : i32
      %dma_wait3A_247 = arith.constant 0 : i32
      %dma_wait3A_248 = tpu.memref_slice %arg7[%dma_wait3A_246, %dma_wait3A_247] : memref<400x128xf32, #tpu.memory_space<vmem>> -> memref<80x128xf32, #tpu.memory_space<vmem>>
      %dma_wait3A_249 = arith.constant 0 : i32
      %dma_wait3A_250 = tpu.memref_slice %arg6[%add3A_188, %dma_wait3A_249] : memref<125x80xi32, #tpu.memory_space<vmem>> -> memref<1x80xi32, #tpu.memory_space<vmem>>
      %dma_wait3A_251 = tpu.memref_squeeze %dma_wait3A_250 : memref<1x80xi32, #tpu.memory_space<vmem>> -> memref<80xi32, #tpu.memory_space<vmem>>
      %dma_wait3A_252 = arith.constant 0 : i32
      %dma_wait3A_253 = arith.constant 0 : i32
      %dma_wait3A_254 = tpu.memref_slice %arg4[%dma_wait3A_252, %dma_wait3A_253] : memref<640000x128xf32, #tpu.memory_space<hbm>> -> memref<640000x128xf32, #tpu.memory_space<hbm>>
      tpu.wait_indirect_dma semaphore(%arg10 : memref<!tpu.dma_semaphore, #tpu.memory_space<semaphore_mem>>) src(%dma_wait3A_248 : memref<80x128xf32, #tpu.memory_space<vmem>>) dst(%dma_wait3A_254 : memref<640000x128xf32, #tpu.memory_space<hbm>>)
      %dma_wait3A_255 = arith.constant 240 : i32
      %dma_wait3A_256 = arith.constant 0 : i32
      %dma_wait3A_257 = tpu.memref_slice %arg7[%dma_wait3A_255, %dma_wait3A_256] : memref<400x128xf32, #tpu.memory_space<vmem>> -> memref<80x128xf32, #tpu.memory_space<vmem>>
      %dma_wait3A_258 = arith.constant 0 : i32
      %dma_wait3A_259 = tpu.memref_slice %arg6[%add3A_201, %dma_wait3A_258] : memref<125x80xi32, #tpu.memory_space<vmem>> -> memref<1x80xi32, #tpu.memory_space<vmem>>
      %dma_wait3A_260 = tpu.memref_squeeze %dma_wait3A_259 : memref<1x80xi32, #tpu.memory_space<vmem>> -> memref<80xi32, #tpu.memory_space<vmem>>
      %dma_wait3A_261 = arith.constant 0 : i32
      %dma_wait3A_262 = arith.constant 0 : i32
      %dma_wait3A_263 = tpu.memref_slice %arg4[%dma_wait3A_261, %dma_wait3A_262] : memref<640000x128xf32, #tpu.memory_space<hbm>> -> memref<640000x128xf32, #tpu.memory_space<hbm>>
      tpu.wait_indirect_dma semaphore(%arg10 : memref<!tpu.dma_semaphore, #tpu.memory_space<semaphore_mem>>) src(%dma_wait3A_257 : memref<80x128xf32, #tpu.memory_space<vmem>>) dst(%dma_wait3A_263 : memref<640000x128xf32, #tpu.memory_space<hbm>>)
      %dma_wait3A_264 = arith.constant 320 : i32
      %dma_wait3A_265 = arith.constant 0 : i32
      %dma_wait3A_266 = tpu.memref_slice %arg7[%dma_wait3A_264, %dma_wait3A_265] : memref<400x128xf32, #tpu.memory_space<vmem>> -> memref<80x128xf32, #tpu.memory_space<vmem>>
      %dma_wait3A_267 = arith.constant 0 : i32
      %dma_wait3A_268 = tpu.memref_slice %arg6[%add3A_214, %dma_wait3A_267] : memref<125x80xi32, #tpu.memory_space<vmem>> -> memref<1x80xi32, #tpu.memory_space<vmem>>
      %dma_wait3A_269 = tpu.memref_squeeze %dma_wait3A_268 : memref<1x80xi32, #tpu.memory_space<vmem>> -> memref<80xi32, #tpu.memory_space<vmem>>
      %dma_wait3A_270 = arith.constant 0 : i32
      %dma_wait3A_271 = arith.constant 0 : i32
      %dma_wait3A_272 = tpu.memref_slice %arg4[%dma_wait3A_270, %dma_wait3A_271] : memref<640000x128xf32, #tpu.memory_space<hbm>> -> memref<640000x128xf32, #tpu.memory_space<hbm>>
      tpu.wait_indirect_dma semaphore(%arg10 : memref<!tpu.dma_semaphore, #tpu.memory_space<semaphore_mem>>) src(%dma_wait3A_266 : memref<80x128xf32, #tpu.memory_space<vmem>>) dst(%dma_wait3A_272 : memref<640000x128xf32, #tpu.memory_space<hbm>>)
      %add3A_273 = arith.constant 2 : i32
      %add3A_274 = arith.addi %mul3A_132, %add3A_273 : i32
      %mul3A_275 = arith.constant 10000 : i32
      %mul3A_276 = arith.muli %add3A, %mul3A_275 : i32
      %min3A_277 = arith.constant 24 : i32
      %min3A_278 = arith.minsi %add3A_274, %min3A_277 : i32
      %mul3A_279 = arith.constant 400 : i32
      %mul3A_280 = arith.muli %min3A_278, %mul3A_279 : i32
      %add3A_281 = arith.addi %mul3A_276, %mul3A_280 : i32
      %multiple_of3A_282 = tpu.assume_multiple %add3A_281, 8 : i32
      %dma_start3A_283 = arith.constant 0 : i32
      %dma_start3A_284 = tpu.memref_slice %arg3[%multiple_of3A_282, %dma_start3A_283] : memref<320000x128xf32, #tpu.memory_space<hbm>> -> memref<400x128xf32, #tpu.memory_space<hbm>>
      %dma_start3A_285 = arith.constant 0 : i32
      %dma_start3A_286 = tpu.memref_slice %arg3[%multiple_of3A_282, %dma_start3A_285] : memref<320000x128xf32, #tpu.memory_space<hbm>> -> memref<400x128xf32, #tpu.memory_space<hbm>>
      tpu.enqueue_dma source(%dma_start3A_286 : memref<400x128xf32, #tpu.memory_space<hbm>>) target(%arg7 : memref<400x128xf32, #tpu.memory_space<vmem>>) target_semaphore(%arg9 : memref<!tpu.dma_semaphore, #tpu.memory_space<semaphore_mem>>)
      %add3A_287 = arith.constant 1 : i32
      %add3A_288 = arith.addi %mul3A_132, %add3A_287 : i32
      %mul3A_289 = arith.constant 5 : i32
      %mul3A_290 = arith.muli %add3A_288, %mul3A_289 : i32
      %add3A_291 = arith.constant 0 : i32
      %add3A_292 = arith.addi %mul3A_290, %add3A_291 : i32
      %dma_start3A_293 = arith.constant 0 : i32
      %dma_start3A_294 = arith.constant 0 : i32
      %dma_start3A_295 = tpu.memref_slice %arg8[%dma_start3A_293, %dma_start3A_294] : memref<400x128xf32, #tpu.memory_space<vmem>> -> memref<80x128xf32, #tpu.memory_space<vmem>>
      %dma_start3A_296 = arith.constant 0 : i32
      %dma_start3A_297 = tpu.memref_slice %arg6[%add3A_292, %dma_start3A_296] : memref<125x80xi32, #tpu.memory_space<vmem>> -> memref<1x80xi32, #tpu.memory_space<vmem>>
      %dma_start3A_298 = tpu.memref_squeeze %dma_start3A_297 : memref<1x80xi32, #tpu.memory_space<vmem>> -> memref<80xi32, #tpu.memory_space<vmem>>
      %dma_start3A_299 = arith.constant 0 : i32
      %dma_start3A_300 = arith.constant 0 : i32
      %dma_start3A_301 = tpu.memref_slice %arg4[%dma_start3A_299, %dma_start3A_300] : memref<640000x128xf32, #tpu.memory_space<hbm>> -> memref<640000x128xf32, #tpu.memory_space<hbm>>
      tpu.enqueue_indirect_dma source(%dma_start3A_295 : memref<80x128xf32, #tpu.memory_space<vmem>>) target(%dma_start3A_301 : memref<640000x128xf32, #tpu.memory_space<hbm>>) offsets(%dma_start3A_298 : memref<80xi32, #tpu.memory_space<vmem>>) semaphore(%arg10 : memref<!tpu.dma_semaphore, #tpu.memory_space<semaphore_mem>>)
      %mul3A_302 = arith.constant 5 : i32
      %mul3A_303 = arith.muli %add3A_288, %mul3A_302 : i32
      %add3A_304 = arith.constant 1 : i32
      %add3A_305 = arith.addi %mul3A_303, %add3A_304 : i32
      %dma_start3A_306 = arith.constant 80 : i32
      %dma_start3A_307 = arith.constant 0 : i32
      %dma_start3A_308 = tpu.memref_slice %arg8[%dma_start3A_306, %dma_start3A_307] : memref<400x128xf32, #tpu.memory_space<vmem>> -> memref<80x128xf32, #tpu.memory_space<vmem>>
      %dma_start3A_309 = arith.constant 0 : i32
      %dma_start3A_310 = tpu.memref_slice %arg6[%add3A_305, %dma_start3A_309] : memref<125x80xi32, #tpu.memory_space<vmem>> -> memref<1x80xi32, #tpu.memory_space<vmem>>
      %dma_start3A_311 = tpu.memref_squeeze %dma_start3A_310 : memref<1x80xi32, #tpu.memory_space<vmem>> -> memref<80xi32, #tpu.memory_space<vmem>>
      %dma_start3A_312 = arith.constant 0 : i32
      %dma_start3A_313 = arith.constant 0 : i32
      %dma_start3A_314 = tpu.memref_slice %arg4[%dma_start3A_312, %dma_start3A_313] : memref<640000x128xf32, #tpu.memory_space<hbm>> -> memref<640000x128xf32, #tpu.memory_space<hbm>>
      tpu.enqueue_indirect_dma source(%dma_start3A_308 : memref<80x128xf32, #tpu.memory_space<vmem>>) target(%dma_start3A_314 : memref<640000x128xf32, #tpu.memory_space<hbm>>) offsets(%dma_start3A_311 : memref<80xi32, #tpu.memory_space<vmem>>) semaphore(%arg10 : memref<!tpu.dma_semaphore, #tpu.memory_space<semaphore_mem>>)
      %mul3A_315 = arith.constant 5 : i32
      %mul3A_316 = arith.muli %add3A_288, %mul3A_315 : i32
      %add3A_317 = arith.constant 2 : i32
      %add3A_318 = arith.addi %mul3A_316, %add3A_317 : i32
      %dma_start3A_319 = arith.constant 160 : i32
      %dma_start3A_320 = arith.constant 0 : i32
      %dma_start3A_321 = tpu.memref_slice %arg8[%dma_start3A_319, %dma_start3A_320] : memref<400x128xf32, #tpu.memory_space<vmem>> -> memref<80x128xf32, #tpu.memory_space<vmem>>
      %dma_start3A_322 = arith.constant 0 : i32
      %dma_start3A_323 = tpu.memref_slice %arg6[%add3A_318, %dma_start3A_322] : memref<125x80xi32, #tpu.memory_space<vmem>> -> memref<1x80xi32, #tpu.memory_space<vmem>>
      %dma_start3A_324 = tpu.memref_squeeze %dma_start3A_323 : memref<1x80xi32, #tpu.memory_space<vmem>> -> memref<80xi32, #tpu.memory_space<vmem>>
      %dma_start3A_325 = arith.constant 0 : i32
      %dma_start3A_326 = arith.constant 0 : i32
      %dma_start3A_327 = tpu.memref_slice %arg4[%dma_start3A_325, %dma_start3A_326] : memref<640000x128xf32, #tpu.memory_space<hbm>> -> memref<640000x128xf32, #tpu.memory_space<hbm>>
      tpu.enqueue_indirect_dma source(%dma_start3A_321 : memref<80x128xf32, #tpu.memory_space<vmem>>) target(%dma_start3A_327 : memref<640000x128xf32, #tpu.memory_space<hbm>>) offsets(%dma_start3A_324 : memref<80xi32, #tpu.memory_space<vmem>>) semaphore(%arg10 : memref<!tpu.dma_semaphore, #tpu.memory_space<semaphore_mem>>)
      %mul3A_328 = arith.constant 5 : i32
      %mul3A_329 = arith.muli %add3A_288, %mul3A_328 : i32
      %add3A_330 = arith.constant 3 : i32
      %add3A_331 = arith.addi %mul3A_329, %add3A_330 : i32
      %dma_start3A_332 = arith.constant 240 : i32
      %dma_start3A_333 = arith.constant 0 : i32
      %dma_start3A_334 = tpu.memref_slice %arg8[%dma_start3A_332, %dma_start3A_333] : memref<400x128xf32, #tpu.memory_space<vmem>> -> memref<80x128xf32, #tpu.memory_space<vmem>>
      %dma_start3A_335 = arith.constant 0 : i32
      %dma_start3A_336 = tpu.memref_slice %arg6[%add3A_331, %dma_start3A_335] : memref<125x80xi32, #tpu.memory_space<vmem>> -> memref<1x80xi32, #tpu.memory_space<vmem>>
      %dma_start3A_337 = tpu.memref_squeeze %dma_start3A_336 : memref<1x80xi32, #tpu.memory_space<vmem>> -> memref<80xi32, #tpu.memory_space<vmem>>
      %dma_start3A_338 = arith.constant 0 : i32
      %dma_start3A_339 = arith.constant 0 : i32
      %dma_start3A_340 = tpu.memref_slice %arg4[%dma_start3A_338, %dma_start3A_339] : memref<640000x128xf32, #tpu.memory_space<hbm>> -> memref<640000x128xf32, #tpu.memory_space<hbm>>
      tpu.enqueue_indirect_dma source(%dma_start3A_334 : memref<80x128xf32, #tpu.memory_space<vmem>>) target(%dma_start3A_340 : memref<640000x128xf32, #tpu.memory_space<hbm>>) offsets(%dma_start3A_337 : memref<80xi32, #tpu.memory_space<vmem>>) semaphore(%arg10 : memref<!tpu.dma_semaphore, #tpu.memory_space<semaphore_mem>>)
      %mul3A_341 = arith.constant 5 : i32
      %mul3A_342 = arith.muli %add3A_288, %mul3A_341 : i32
      %add3A_343 = arith.constant 4 : i32
      %add3A_344 = arith.addi %mul3A_342, %add3A_343 : i32
      %dma_start3A_345 = arith.constant 320 : i32
      %dma_start3A_346 = arith.constant 0 : i32
      %dma_start3A_347 = tpu.memref_slice %arg8[%dma_start3A_345, %dma_start3A_346] : memref<400x128xf32, #tpu.memory_space<vmem>> -> memref<80x128xf32, #tpu.memory_space<vmem>>
      %dma_start3A_348 = arith.constant 0 : i32
      %dma_start3A_349 = tpu.memref_slice %arg6[%add3A_344, %dma_start3A_348] : memref<125x80xi32, #tpu.memory_space<vmem>> -> memref<1x80xi32, #tpu.memory_space<vmem>>
      %dma_start3A_350 = tpu.memref_squeeze %dma_start3A_349 : memref<1x80xi32, #tpu.memory_space<vmem>> -> memref<80xi32, #tpu.memory_space<vmem>>
      %dma_start3A_351 = arith.constant 0 : i32
      %dma_start3A_352 = arith.constant 0 : i32
      %dma_start3A_353 = tpu.memref_slice %arg4[%dma_start3A_351, %dma_start3A_352] : memref<640000x128xf32, #tpu.memory_space<hbm>> -> memref<640000x128xf32, #tpu.memory_space<hbm>>
      tpu.enqueue_indirect_dma source(%dma_start3A_347 : memref<80x128xf32, #tpu.memory_space<vmem>>) target(%dma_start3A_353 : memref<640000x128xf32, #tpu.memory_space<hbm>>) offsets(%dma_start3A_350 : memref<80xi32, #tpu.memory_space<vmem>>) semaphore(%arg10 : memref<!tpu.dma_semaphore, #tpu.memory_space<semaphore_mem>>)
      %dma_wait3A_354 = arith.constant 0 : i32
      %dma_wait3A_355 = arith.constant 0 : i32
      %dma_wait3A_356 = tpu.memref_slice %arg8[%dma_wait3A_354, %dma_wait3A_355] : memref<400x128xf32, #tpu.memory_space<vmem>> -> memref<80x128xf32, #tpu.memory_space<vmem>>
      %dma_wait3A_357 = arith.constant 0 : i32
      %dma_wait3A_358 = tpu.memref_slice %arg6[%add3A_292, %dma_wait3A_357] : memref<125x80xi32, #tpu.memory_space<vmem>> -> memref<1x80xi32, #tpu.memory_space<vmem>>
      %dma_wait3A_359 = tpu.memref_squeeze %dma_wait3A_358 : memref<1x80xi32, #tpu.memory_space<vmem>> -> memref<80xi32, #tpu.memory_space<vmem>>
      %dma_wait3A_360 = arith.constant 0 : i32
      %dma_wait3A_361 = arith.constant 0 : i32
      %dma_wait3A_362 = tpu.memref_slice %arg4[%dma_wait3A_360, %dma_wait3A_361] : memref<640000x128xf32, #tpu.memory_space<hbm>> -> memref<640000x128xf32, #tpu.memory_space<hbm>>
      tpu.wait_indirect_dma semaphore(%arg10 : memref<!tpu.dma_semaphore, #tpu.memory_space<semaphore_mem>>) src(%dma_wait3A_356 : memref<80x128xf32, #tpu.memory_space<vmem>>) dst(%dma_wait3A_362 : memref<640000x128xf32, #tpu.memory_space<hbm>>)
      %dma_wait3A_363 = arith.constant 80 : i32
      %dma_wait3A_364 = arith.constant 0 : i32
      %dma_wait3A_365 = tpu.memref_slice %arg8[%dma_wait3A_363, %dma_wait3A_364] : memref<400x128xf32, #tpu.memory_space<vmem>> -> memref<80x128xf32, #tpu.memory_space<vmem>>
      %dma_wait3A_366 = arith.constant 0 : i32
      %dma_wait3A_367 = tpu.memref_slice %arg6[%add3A_305, %dma_wait3A_366] : memref<125x80xi32, #tpu.memory_space<vmem>> -> memref<1x80xi32, #tpu.memory_space<vmem>>
      %dma_wait3A_368 = tpu.memref_squeeze %dma_wait3A_367 : memref<1x80xi32, #tpu.memory_space<vmem>> -> memref<80xi32, #tpu.memory_space<vmem>>
      %dma_wait3A_369 = arith.constant 0 : i32
      %dma_wait3A_370 = arith.constant 0 : i32
      %dma_wait3A_371 = tpu.memref_slice %arg4[%dma_wait3A_369, %dma_wait3A_370] : memref<640000x128xf32, #tpu.memory_space<hbm>> -> memref<640000x128xf32, #tpu.memory_space<hbm>>
      tpu.wait_indirect_dma semaphore(%arg10 : memref<!tpu.dma_semaphore, #tpu.memory_space<semaphore_mem>>) src(%dma_wait3A_365 : memref<80x128xf32, #tpu.memory_space<vmem>>) dst(%dma_wait3A_371 : memref<640000x128xf32, #tpu.memory_space<hbm>>)
      %dma_wait3A_372 = arith.constant 160 : i32
      %dma_wait3A_373 = arith.constant 0 : i32
      %dma_wait3A_374 = tpu.memref_slice %arg8[%dma_wait3A_372, %dma_wait3A_373] : memref<400x128xf32, #tpu.memory_space<vmem>> -> memref<80x128xf32, #tpu.memory_space<vmem>>
      %dma_wait3A_375 = arith.constant 0 : i32
      %dma_wait3A_376 = tpu.memref_slice %arg6[%add3A_318, %dma_wait3A_375] : memref<125x80xi32, #tpu.memory_space<vmem>> -> memref<1x80xi32, #tpu.memory_space<vmem>>
      %dma_wait3A_377 = tpu.memref_squeeze %dma_wait3A_376 : memref<1x80xi32, #tpu.memory_space<vmem>> -> memref<80xi32, #tpu.memory_space<vmem>>
      %dma_wait3A_378 = arith.constant 0 : i32
      %dma_wait3A_379 = arith.constant 0 : i32
      %dma_wait3A_380 = tpu.memref_slice %arg4[%dma_wait3A_378, %dma_wait3A_379] : memref<640000x128xf32, #tpu.memory_space<hbm>> -> memref<640000x128xf32, #tpu.memory_space<hbm>>
      tpu.wait_indirect_dma semaphore(%arg10 : memref<!tpu.dma_semaphore, #tpu.memory_space<semaphore_mem>>) src(%dma_wait3A_374 : memref<80x128xf32, #tpu.memory_space<vmem>>) dst(%dma_wait3A_380 : memref<640000x128xf32, #tpu.memory_space<hbm>>)
      %dma_wait3A_381 = arith.constant 240 : i32
      %dma_wait3A_382 = arith.constant 0 : i32
      %dma_wait3A_383 = tpu.memref_slice %arg8[%dma_wait3A_381, %dma_wait3A_382] : memref<400x128xf32, #tpu.memory_space<vmem>> -> memref<80x128xf32, #tpu.memory_space<vmem>>
      %dma_wait3A_384 = arith.constant 0 : i32
      %dma_wait3A_385 = tpu.memref_slice %arg6[%add3A_331, %dma_wait3A_384] : memref<125x80xi32, #tpu.memory_space<vmem>> -> memref<1x80xi32, #tpu.memory_space<vmem>>
      %dma_wait3A_386 = tpu.memref_squeeze %dma_wait3A_385 : memref<1x80xi32, #tpu.memory_space<vmem>> -> memref<80xi32, #tpu.memory_space<vmem>>
      %dma_wait3A_387 = arith.constant 0 : i32
      %dma_wait3A_388 = arith.constant 0 : i32
      %dma_wait3A_389 = tpu.memref_slice %arg4[%dma_wait3A_387, %dma_wait3A_388] : memref<640000x128xf32, #tpu.memory_space<hbm>> -> memref<640000x128xf32, #tpu.memory_space<hbm>>
      tpu.wait_indirect_dma semaphore(%arg10 : memref<!tpu.dma_semaphore, #tpu.memory_space<semaphore_mem>>) src(%dma_wait3A_383 : memref<80x128xf32, #tpu.memory_space<vmem>>) dst(%dma_wait3A_389 : memref<640000x128xf32, #tpu.memory_space<hbm>>)
      %dma_wait3A_390 = arith.constant 320 : i32
      %dma_wait3A_391 = arith.constant 0 : i32
      %dma_wait3A_392 = tpu.memref_slice %arg8[%dma_wait3A_390, %dma_wait3A_391] : memref<400x128xf32, #tpu.memory_space<vmem>> -> memref<80x128xf32, #tpu.memory_space<vmem>>
      %dma_wait3A_393 = arith.constant 0 : i32
      %dma_wait3A_394 = tpu.memref_slice %arg6[%add3A_344, %dma_wait3A_393] : memref<125x80xi32, #tpu.memory_space<vmem>> -> memref<1x80xi32, #tpu.memory_space<vmem>>
      %dma_wait3A_395 = tpu.memref_squeeze %dma_wait3A_394 : memref<1x80xi32, #tpu.memory_space<vmem>> -> memref<80xi32, #tpu.memory_space<vmem>>
      %dma_wait3A_396 = arith.constant 0 : i32
      %dma_wait3A_397 = arith.constant 0 : i32
      %dma_wait3A_398 = tpu.memref_slice %arg4[%dma_wait3A_396, %dma_wait3A_397] : memref<640000x128xf32, #tpu.memory_space<hbm>> -> memref<640000x128xf32, #tpu.memory_space<hbm>>
      tpu.wait_indirect_dma semaphore(%arg10 : memref<!tpu.dma_semaphore, #tpu.memory_space<semaphore_mem>>) src(%dma_wait3A_392 : memref<80x128xf32, #tpu.memory_space<vmem>>) dst(%dma_wait3A_398 : memref<640000x128xf32, #tpu.memory_space<hbm>>)
      %scan3A_399 = arith.constant 0 : i32
      scf.yield %scan3A_399 : i32
    }
    %scan3A_16 = arith.constant 12 : i32
    %mul3A_17 = arith.constant 10000 : i32
    %mul3A_18 = arith.muli %add3A, %mul3A_17 : i32
    %min3A_19 = arith.constant 24 : i32
    %min3A_20 = arith.constant 24 : i32
    %min3A_21 = arith.minsi %min3A_19, %min3A_20 : i32
    %mul3A_22 = arith.constant 400 : i32
    %mul3A_23 = arith.muli %min3A_21, %mul3A_22 : i32
    %add3A_24 = arith.addi %mul3A_18, %mul3A_23 : i32
    %multiple_of3A_25 = tpu.assume_multiple %add3A_24, 8 : i32
    %dma_wait3A = arith.constant 0 : i32
    %dma_wait3A_26 = tpu.memref_slice %arg3[%multiple_of3A_25, %dma_wait3A] : memref<320000x128xf32, #tpu.memory_space<hbm>> -> memref<400x128xf32, #tpu.memory_space<hbm>>
    %dma_wait3A_27 = arith.constant 0 : i32
    %dma_wait3A_28 = tpu.memref_slice %arg3[%multiple_of3A_25, %dma_wait3A_27] : memref<320000x128xf32, #tpu.memory_space<hbm>> -> memref<400x128xf32, #tpu.memory_space<hbm>>
    tpu.wait_dma2 semaphore(%arg9 : memref<!tpu.dma_semaphore, #tpu.memory_space<semaphore_mem>>) src(%dma_wait3A_28 : memref<400x128xf32, #tpu.memory_space<hbm>>) dst(%arg7 : memref<400x128xf32, #tpu.memory_space<vmem>>)
    %dma_start3A_29 = arith.constant 120 : i32
    %dma_start3A_30 = arith.constant 0 : i32
    %dma_start3A_31 = arith.constant 0 : i32
    %dma_start3A_32 = tpu.memref_slice %arg7[%dma_start3A_30, %dma_start3A_31] : memref<400x128xf32, #tpu.memory_space<vmem>> -> memref<80x128xf32, #tpu.memory_space<vmem>>
    %dma_start3A_33 = arith.constant 0 : i32
    %dma_start3A_34 = tpu.memref_slice %arg6[%dma_start3A_29, %dma_start3A_33] : memref<125x80xi32, #tpu.memory_space<vmem>> -> memref<1x80xi32, #tpu.memory_space<vmem>>
    %dma_start3A_35 = tpu.memref_squeeze %dma_start3A_34 : memref<1x80xi32, #tpu.memory_space<vmem>> -> memref<80xi32, #tpu.memory_space<vmem>>
    %dma_start3A_36 = arith.constant 0 : i32
    %dma_start3A_37 = arith.constant 0 : i32
    %dma_start3A_38 = tpu.memref_slice %arg4[%dma_start3A_36, %dma_start3A_37] : memref<640000x128xf32, #tpu.memory_space<hbm>> -> memref<640000x128xf32, #tpu.memory_space<hbm>>
    tpu.enqueue_indirect_dma source(%dma_start3A_32 : memref<80x128xf32, #tpu.memory_space<vmem>>) target(%dma_start3A_38 : memref<640000x128xf32, #tpu.memory_space<hbm>>) offsets(%dma_start3A_35 : memref<80xi32, #tpu.memory_space<vmem>>) semaphore(%arg10 : memref<!tpu.dma_semaphore, #tpu.memory_space<semaphore_mem>>)
    %dma_start3A_39 = arith.constant 121 : i32
    %dma_start3A_40 = arith.constant 80 : i32
    %dma_start3A_41 = arith.constant 0 : i32
    %dma_start3A_42 = tpu.memref_slice %arg7[%dma_start3A_40, %dma_start3A_41] : memref<400x128xf32, #tpu.memory_space<vmem>> -> memref<80x128xf32, #tpu.memory_space<vmem>>
    %dma_start3A_43 = arith.constant 0 : i32
    %dma_start3A_44 = tpu.memref_slice %arg6[%dma_start3A_39, %dma_start3A_43] : memref<125x80xi32, #tpu.memory_space<vmem>> -> memref<1x80xi32, #tpu.memory_space<vmem>>
    %dma_start3A_45 = tpu.memref_squeeze %dma_start3A_44 : memref<1x80xi32, #tpu.memory_space<vmem>> -> memref<80xi32, #tpu.memory_space<vmem>>
    %dma_start3A_46 = arith.constant 0 : i32
    %dma_start3A_47 = arith.constant 0 : i32
    %dma_start3A_48 = tpu.memref_slice %arg4[%dma_start3A_46, %dma_start3A_47] : memref<640000x128xf32, #tpu.memory_space<hbm>> -> memref<640000x128xf32, #tpu.memory_space<hbm>>
    tpu.enqueue_indirect_dma source(%dma_start3A_42 : memref<80x128xf32, #tpu.memory_space<vmem>>) target(%dma_start3A_48 : memref<640000x128xf32, #tpu.memory_space<hbm>>) offsets(%dma_start3A_45 : memref<80xi32, #tpu.memory_space<vmem>>) semaphore(%arg10 : memref<!tpu.dma_semaphore, #tpu.memory_space<semaphore_mem>>)
    %dma_start3A_49 = arith.constant 122 : i32
    %dma_start3A_50 = arith.constant 160 : i32
    %dma_start3A_51 = arith.constant 0 : i32
    %dma_start3A_52 = tpu.memref_slice %arg7[%dma_start3A_50, %dma_start3A_51] : memref<400x128xf32, #tpu.memory_space<vmem>> -> memref<80x128xf32, #tpu.memory_space<vmem>>
    %dma_start3A_53 = arith.constant 0 : i32
    %dma_start3A_54 = tpu.memref_slice %arg6[%dma_start3A_49, %dma_start3A_53] : memref<125x80xi32, #tpu.memory_space<vmem>> -> memref<1x80xi32, #tpu.memory_space<vmem>>
    %dma_start3A_55 = tpu.memref_squeeze %dma_start3A_54 : memref<1x80xi32, #tpu.memory_space<vmem>> -> memref<80xi32, #tpu.memory_space<vmem>>
    %dma_start3A_56 = arith.constant 0 : i32
    %dma_start3A_57 = arith.constant 0 : i32
    %dma_start3A_58 = tpu.memref_slice %arg4[%dma_start3A_56, %dma_start3A_57] : memref<640000x128xf32, #tpu.memory_space<hbm>> -> memref<640000x128xf32, #tpu.memory_space<hbm>>
    tpu.enqueue_indirect_dma source(%dma_start3A_52 : memref<80x128xf32, #tpu.memory_space<vmem>>) target(%dma_start3A_58 : memref<640000x128xf32, #tpu.memory_space<hbm>>) offsets(%dma_start3A_55 : memref<80xi32, #tpu.memory_space<vmem>>) semaphore(%arg10 : memref<!tpu.dma_semaphore, #tpu.memory_space<semaphore_mem>>)
    %dma_start3A_59 = arith.constant 123 : i32
    %dma_start3A_60 = arith.constant 240 : i32
    %dma_start3A_61 = arith.constant 0 : i32
    %dma_start3A_62 = tpu.memref_slice %arg7[%dma_start3A_60, %dma_start3A_61] : memref<400x128xf32, #tpu.memory_space<vmem>> -> memref<80x128xf32, #tpu.memory_space<vmem>>
    %dma_start3A_63 = arith.constant 0 : i32
    %dma_start3A_64 = tpu.memref_slice %arg6[%dma_start3A_59, %dma_start3A_63] : memref<125x80xi32, #tpu.memory_space<vmem>> -> memref<1x80xi32, #tpu.memory_space<vmem>>
    %dma_start3A_65 = tpu.memref_squeeze %dma_start3A_64 : memref<1x80xi32, #tpu.memory_space<vmem>> -> memref<80xi32, #tpu.memory_space<vmem>>
    %dma_start3A_66 = arith.constant 0 : i32
    %dma_start3A_67 = arith.constant 0 : i32
    %dma_start3A_68 = tpu.memref_slice %arg4[%dma_start3A_66, %dma_start3A_67] : memref<640000x128xf32, #tpu.memory_space<hbm>> -> memref<640000x128xf32, #tpu.memory_space<hbm>>
    tpu.enqueue_indirect_dma source(%dma_start3A_62 : memref<80x128xf32, #tpu.memory_space<vmem>>) target(%dma_start3A_68 : memref<640000x128xf32, #tpu.memory_space<hbm>>) offsets(%dma_start3A_65 : memref<80xi32, #tpu.memory_space<vmem>>) semaphore(%arg10 : memref<!tpu.dma_semaphore, #tpu.memory_space<semaphore_mem>>)
    %dma_start3A_69 = arith.constant 124 : i32
    %dma_start3A_70 = arith.constant 320 : i32
    %dma_start3A_71 = arith.constant 0 : i32
    %dma_start3A_72 = tpu.memref_slice %arg7[%dma_start3A_70, %dma_start3A_71] : memref<400x128xf32, #tpu.memory_space<vmem>> -> memref<80x128xf32, #tpu.memory_space<vmem>>
    %dma_start3A_73 = arith.constant 0 : i32
    %dma_start3A_74 = tpu.memref_slice %arg6[%dma_start3A_69, %dma_start3A_73] : memref<125x80xi32, #tpu.memory_space<vmem>> -> memref<1x80xi32, #tpu.memory_space<vmem>>
    %dma_start3A_75 = tpu.memref_squeeze %dma_start3A_74 : memref<1x80xi32, #tpu.memory_space<vmem>> -> memref<80xi32, #tpu.memory_space<vmem>>
    %dma_start3A_76 = arith.constant 0 : i32
    %dma_start3A_77 = arith.constant 0 : i32
    %dma_start3A_78 = tpu.memref_slice %arg4[%dma_start3A_76, %dma_start3A_77] : memref<640000x128xf32, #tpu.memory_space<hbm>> -> memref<640000x128xf32, #tpu.memory_space<hbm>>
    tpu.enqueue_indirect_dma source(%dma_start3A_72 : memref<80x128xf32, #tpu.memory_space<vmem>>) target(%dma_start3A_78 : memref<640000x128xf32, #tpu.memory_space<hbm>>) offsets(%dma_start3A_75 : memref<80xi32, #tpu.memory_space<vmem>>) semaphore(%arg10 : memref<!tpu.dma_semaphore, #tpu.memory_space<semaphore_mem>>)
    %dma_wait3A_79 = arith.constant 120 : i32
    %dma_wait3A_80 = arith.constant 0 : i32
    %dma_wait3A_81 = arith.constant 0 : i32
    %dma_wait3A_82 = tpu.memref_slice %arg7[%dma_wait3A_80, %dma_wait3A_81] : memref<400x128xf32, #tpu.memory_space<vmem>> -> memref<80x128xf32, #tpu.memory_space<vmem>>
    %dma_wait3A_83 = arith.constant 0 : i32
    %dma_wait3A_84 = tpu.memref_slice %arg6[%dma_wait3A_79, %dma_wait3A_83] : memref<125x80xi32, #tpu.memory_space<vmem>> -> memref<1x80xi32, #tpu.memory_space<vmem>>
    %dma_wait3A_85 = tpu.memref_squeeze %dma_wait3A_84 : memref<1x80xi32, #tpu.memory_space<vmem>> -> memref<80xi32, #tpu.memory_space<vmem>>
    %dma_wait3A_86 = arith.constant 0 : i32
    %dma_wait3A_87 = arith.constant 0 : i32
    %dma_wait3A_88 = tpu.memref_slice %arg4[%dma_wait3A_86, %dma_wait3A_87] : memref<640000x128xf32, #tpu.memory_space<hbm>> -> memref<640000x128xf32, #tpu.memory_space<hbm>>
    tpu.wait_indirect_dma semaphore(%arg10 : memref<!tpu.dma_semaphore, #tpu.memory_space<semaphore_mem>>) src(%dma_wait3A_82 : memref<80x128xf32, #tpu.memory_space<vmem>>) dst(%dma_wait3A_88 : memref<640000x128xf32, #tpu.memory_space<hbm>>)
    %dma_wait3A_89 = arith.constant 121 : i32
    %dma_wait3A_90 = arith.constant 80 : i32
    %dma_wait3A_91 = arith.constant 0 : i32
    %dma_wait3A_92 = tpu.memref_slice %arg7[%dma_wait3A_90, %dma_wait3A_91] : memref<400x128xf32, #tpu.memory_space<vmem>> -> memref<80x128xf32, #tpu.memory_space<vmem>>
    %dma_wait3A_93 = arith.constant 0 : i32
    %dma_wait3A_94 = tpu.memref_slice %arg6[%dma_wait3A_89, %dma_wait3A_93] : memref<125x80xi32, #tpu.memory_space<vmem>> -> memref<1x80xi32, #tpu.memory_space<vmem>>
    %dma_wait3A_95 = tpu.memref_squeeze %dma_wait3A_94 : memref<1x80xi32, #tpu.memory_space<vmem>> -> memref<80xi32, #tpu.memory_space<vmem>>
    %dma_wait3A_96 = arith.constant 0 : i32
    %dma_wait3A_97 = arith.constant 0 : i32
    %dma_wait3A_98 = tpu.memref_slice %arg4[%dma_wait3A_96, %dma_wait3A_97] : memref<640000x128xf32, #tpu.memory_space<hbm>> -> memref<640000x128xf32, #tpu.memory_space<hbm>>
    tpu.wait_indirect_dma semaphore(%arg10 : memref<!tpu.dma_semaphore, #tpu.memory_space<semaphore_mem>>) src(%dma_wait3A_92 : memref<80x128xf32, #tpu.memory_space<vmem>>) dst(%dma_wait3A_98 : memref<640000x128xf32, #tpu.memory_space<hbm>>)
    %dma_wait3A_99 = arith.constant 122 : i32
    %dma_wait3A_100 = arith.constant 160 : i32
    %dma_wait3A_101 = arith.constant 0 : i32
    %dma_wait3A_102 = tpu.memref_slice %arg7[%dma_wait3A_100, %dma_wait3A_101] : memref<400x128xf32, #tpu.memory_space<vmem>> -> memref<80x128xf32, #tpu.memory_space<vmem>>
    %dma_wait3A_103 = arith.constant 0 : i32
    %dma_wait3A_104 = tpu.memref_slice %arg6[%dma_wait3A_99, %dma_wait3A_103] : memref<125x80xi32, #tpu.memory_space<vmem>> -> memref<1x80xi32, #tpu.memory_space<vmem>>
    %dma_wait3A_105 = tpu.memref_squeeze %dma_wait3A_104 : memref<1x80xi32, #tpu.memory_space<vmem>> -> memref<80xi32, #tpu.memory_space<vmem>>
    %dma_wait3A_106 = arith.constant 0 : i32
    %dma_wait3A_107 = arith.constant 0 : i32
    %dma_wait3A_108 = tpu.memref_slice %arg4[%dma_wait3A_106, %dma_wait3A_107] : memref<640000x128xf32, #tpu.memory_space<hbm>> -> memref<640000x128xf32, #tpu.memory_space<hbm>>
    tpu.wait_indirect_dma semaphore(%arg10 : memref<!tpu.dma_semaphore, #tpu.memory_space<semaphore_mem>>) src(%dma_wait3A_102 : memref<80x128xf32, #tpu.memory_space<vmem>>) dst(%dma_wait3A_108 : memref<640000x128xf32, #tpu.memory_space<hbm>>)
    %dma_wait3A_109 = arith.constant 123 : i32
    %dma_wait3A_110 = arith.constant 240 : i32
    %dma_wait3A_111 = arith.constant 0 : i32
    %dma_wait3A_112 = tpu.memref_slice %arg7[%dma_wait3A_110, %dma_wait3A_111] : memref<400x128xf32, #tpu.memory_space<vmem>> -> memref<80x128xf32, #tpu.memory_space<vmem>>
    %dma_wait3A_113 = arith.constant 0 : i32
    %dma_wait3A_114 = tpu.memref_slice %arg6[%dma_wait3A_109, %dma_wait3A_113] : memref<125x80xi32, #tpu.memory_space<vmem>> -> memref<1x80xi32, #tpu.memory_space<vmem>>
    %dma_wait3A_115 = tpu.memref_squeeze %dma_wait3A_114 : memref<1x80xi32, #tpu.memory_space<vmem>> -> memref<80xi32, #tpu.memory_space<vmem>>
    %dma_wait3A_116 = arith.constant 0 : i32
    %dma_wait3A_117 = arith.constant 0 : i32
    %dma_wait3A_118 = tpu.memref_slice %arg4[%dma_wait3A_116, %dma_wait3A_117] : memref<640000x128xf32, #tpu.memory_space<hbm>> -> memref<640000x128xf32, #tpu.memory_space<hbm>>
    tpu.wait_indirect_dma semaphore(%arg10 : memref<!tpu.dma_semaphore, #tpu.memory_space<semaphore_mem>>) src(%dma_wait3A_112 : memref<80x128xf32, #tpu.memory_space<vmem>>) dst(%dma_wait3A_118 : memref<640000x128xf32, #tpu.memory_space<hbm>>)
    %dma_wait3A_119 = arith.constant 124 : i32
    %dma_wait3A_120 = arith.constant 320 : i32
    %dma_wait3A_121 = arith.constant 0 : i32
    %dma_wait3A_122 = tpu.memref_slice %arg7[%dma_wait3A_120, %dma_wait3A_121] : memref<400x128xf32, #tpu.memory_space<vmem>> -> memref<80x128xf32, #tpu.memory_space<vmem>>
    %dma_wait3A_123 = arith.constant 0 : i32
    %dma_wait3A_124 = tpu.memref_slice %arg6[%dma_wait3A_119, %dma_wait3A_123] : memref<125x80xi32, #tpu.memory_space<vmem>> -> memref<1x80xi32, #tpu.memory_space<vmem>>
    %dma_wait3A_125 = tpu.memref_squeeze %dma_wait3A_124 : memref<1x80xi32, #tpu.memory_space<vmem>> -> memref<80xi32, #tpu.memory_space<vmem>>
    %dma_wait3A_126 = arith.constant 0 : i32
    %dma_wait3A_127 = arith.constant 0 : i32
    %dma_wait3A_128 = tpu.memref_slice %arg4[%dma_wait3A_126, %dma_wait3A_127] : memref<640000x128xf32, #tpu.memory_space<hbm>> -> memref<640000x128xf32, #tpu.memory_space<hbm>>
    tpu.wait_indirect_dma semaphore(%arg10 : memref<!tpu.dma_semaphore, #tpu.memory_space<semaphore_mem>>) src(%dma_wait3A_122 : memref<80x128xf32, #tpu.memory_space<vmem>>) dst(%dma_wait3A_128 : memref<640000x128xf32, #tpu.memory_space<hbm>>)
    return
  }
}

module attributes {stable_mosaic.version = 14 : i64} {
  func.func @_copy_body(%arg0: i32, %arg1: memref<12800x128xf32, #tpu.memory_space<vmem>>, %arg2: memref<12800x128xf32, #tpu.memory_space<vmem>>) attributes {dimension_semantics = [#tpu.dimension_semantics<arbitrary>], iteration_bounds = array<i64: 50>, scalar_prefetch = 0 : i64, scratch_operands = 0 : i64, tpu.core_type = #tpu.core_type<tc>, window_params = [{transform_indices = @transform_0, window_bounds = array<i64: 12800, 128>}, {transform_indices = @transform_1, window_bounds = array<i64: 12800, 128>}]} {
    %get3A = arith.constant 0 : index
    %get3A_0 = arith.constant 0 : index
    %get3A_1 = vector.load %arg1[%get3A, %get3A_0] : memref<12800x128xf32, #tpu.memory_space<vmem>>, vector<12800x128xf32>
    %swap3A = arith.constant 0 : index
    %swap3A_2 = arith.constant 0 : index
    %swap3A_3 = vector.load %arg2[%swap3A, %swap3A_2] : memref<12800x128xf32, #tpu.memory_space<vmem>>, vector<12800x128xf32>
    tpu.vector_store %arg2[%swap3A, %swap3A_2], %get3A_1 {strides = array<i32>} : memref<12800x128xf32, #tpu.memory_space<vmem>>, vector<12800x128xf32>,
    return
  }
  func.func @transform_0(%arg0: i32) -> (i32, i32) {
    %c0_i32 = arith.constant 0 : i32
    %c0_i32_0 = arith.constant 0 : i32
    return %arg0, %c0_i32 : i32, i32
  }
  func.func @transform_1(%arg0: i32) -> (i32, i32) {
    %c0_i32 = arith.constant 0 : i32
    %c0_i32_0 = arith.constant 0 : i32
    return %arg0, %c0_i32 : i32, i32
  }
}

</mosaic_0001>

<sc_bundles>
// kernel: kernel.4.cloned.1.call-start
scs
__scs_entry_jumppad:
0x0: {  	(pc) =	sbr.rel $0x88, $3  }
0x1: {  	(tag) =	ssettag $0x0;
	lr =	simm.s32 $0x1  }
0x2: {  	[smem:$0x3F9D] =	sst lr;
	_ =	strace $0xD0000000  }
0x3: {  	_ = 	snop  }
0x4: {  	_ = 	snop  }
0x5: {  	_ = 	snop  }
0x6: {  	_ = 	snop  }
0x7: {  	_ = 	snop  }
__scs_overlays_trampoline_lowered:
0x8: {  	[smem:$0x3FAC] =	sst s0  }
0x9: {  	[smem:$0x3FAD] =	sst s1  }
0xa: {  	[smem:$0x3FAE] =	sst s2  }
0xb: {  	[smem:$0x3FAF] =	sst s3  }
0xc: {  	[smem:$0x3FB0] =	sst s4  }
0xd: {  	[smem:$0x3FB1] =	sst s5  }
0xe: {  	[smem:$0x3FB2] =	sst s6  }
0xf: {  	[smem:$0x3FB3] =	sst s7  }
0x10: {  	[smem:$0x3FB4] =	sst s8  }
0x11: {  	[smem:$0x3FB5] =	sst s9;
	s0 =	simm.s32 @!p0 $0x0  }
0x12: {  	s1 =	sld [smem:$0x3F9B];
	s0 =	simm.s32 @p0 $0x1  }
0x13: {  	[smem:$0x3FB6] =	sst s0;
	s0 =	simm.s32 @!p1 $0x0  }
0x14: {  	s2 =	sld [smem:$0x3F9A];
	s0 =	simm.s32 @p1 $0x1  }
0x15: {  	[smem:$0x3FB7] =	sst s0;
	s0 =	simm.s32 @!p2 $0x0  }
0x16: {  	s3 =	sld [smem:$0x3FDB];
	s0 =	simm.s32 @p2 $0x1  }
0x17: {  	s4 =	simm.s32 $0x1BF5;
	[smem:$0x3FB9] =	sst s0  }
0x18: {  	s0 =	sld [smem:$0x3F9C];
	_ =	swait.ge [sflag:s4], $0x0  }
0x19: {  	s7 =	sld [smem:$0x3F9D]  }
0x1a: {  	s8 =	sadd.s32 $0xFFFFE003, lr  }
0x1b: {  	s9 =	sadd.s32 $0xFFFFFEF7, lr;
	s5 =	simm.s32 $0xFFFFFFFF;
	p2 =	slt.u32 s8, $0xFFFFF086  }
0x1c: {  	p1 =	slt.u32 s9, $0xF7A;
	s5 =	simm.s32 @!p2 $0x0  }
0x1d: {  	s5 =	simm.s32 @p1 $0x1;
	p0 =	seq.s32 s7, s2  }
0x1e: {  	s7 =	smul.u32 @!p0 $0xF7A, s2;
	p2 =	seq.s32 @!p0 s5, $0x0  }
0x1f: {  	s9 =	smul.u32 $0xF7A, s1;
	s8 =	simm.s32 @!p0 $0x1BF5;
	p2 =	por !p2, p0  }
0x20: {  	[sflag:s8] =	ssyncset.s32 @!p0 $0xFFFFF086;
	s6 =	sadd.s32 @!p0 s3, s7;
	s7 =	simm.s32 @!p0 $0x108  }
0x21: {  	s3 =	sadd.s32 s3, s9;
	s6 =	sadd.s32 @!p0 $0x88, s6;
	s7 =	simm.s32 @p2 $0x1082  }
0x22: {  	[simem:s7], [sflag:s8] =	dma.local @!p0 [hbm:s6], $0xF7A  }
0x23: {  	s9 =	sor.u32 $0xD0000000, s2;
	s6 =	simm.s32 $0x108;
	_ =	swait.ge @!p0 [sflag:s8], $0x0  }
0x24: {  	s3 =	sadd.s32 $0x88, s3;
	s6 =	simm.s32 @!p1 $0x1082;
	[sflag:s4] =	ssyncset.s32 $0xFFFFF086  }
0x25: {  	[simem:s6], [sflag:s4] =	dma.local [hbm:s3], $0xF7A  }
0x26: {  	[smem:$0x3F9D] =	sst s1;
	(tag) =	ssettag s2;
	_ =	strace s9  }
0x27: {  	s1 =	sld [smem:$0x3FAD]  }
0x28: {  	s2 =	sld [smem:$0x3FAE]  }
0x29: {  	s4 =	sld [smem:$0x3FB0]  }
0x2a: {  	p0 =	seq.s32 s5, $0x0;
	s5 =	sld [smem:$0x3FB1]  }
0x2b: {  	s6 =	sld [smem:$0x3FB2]  }
0x2c: {  	s7 =	sld [smem:$0x3FB3]  }
0x2d: {  	s3 =	simm.s32 $0x108;
	s8 =	sld [smem:$0x3FB4]  }
0x2e: {  	s3 =	simm.s32 @!p0 $0x1082;
	s9 =	sld [smem:$0x3FB5]  }
0x2f: {  	lr =	sadd.s32 s0, s3;
	s0 =	sld [smem:$0x3FAC]  }
0x30: {  	s3 =	sld [smem:$0x3FAF]  }
0x31: {  	[smem:$0x3FB8] =	sst s10  }
0x32: {  	s10 =	sld [smem:$0x3FB6];
	_ =	sdelay $0x3  }
0x33: {  	p0 =	seq.s32 s10, $0x1;
	s10 =	sld [smem:$0x3FB8];
	_ =	sdelay $0x3  }
0x34: {  	[smem:$0x3FB8] =	sst s10  }
0x35: {  	s10 =	sld [smem:$0x3FB7];
	_ =	sdelay $0x3  }
0x36: {  	p1 =	seq.s32 s10, $0x1;
	s10 =	sld [smem:$0x3FB8];
	_ =	sdelay $0x3  }
0x37: {  	[smem:$0x3FB8] =	sst s10  }
0x38: {  	s10 =	sld [smem:$0x3FB9]  }
0x39: {  	_ = 	snop;
	(pc) =	sbr.ind lr, $3  }
0x3a: {  	_ = 	snop  }
0x3b: {  	_ = 	snop  }
0x3c: {  	p2 =	seq.s32 s10, $0x1;
	s10 =	sld [smem:$0x3FB8]  }
0x3d: {  	_ =	shalt  }
0x3e: {  	_ =	shalt  }
0x3f: {  	_ =	shalt  }
0x40: {  	_ =	shalt  }
0x41: {  	_ =	shalt  }
0x42: {  	_ =	shalt  }
0x43: {  	_ =	shalt  }
0x44: {  	_ =	shalt  }
0x45: {  	_ =	shalt  }
0x46: {  	_ =	shalt  }
0x47: {  	_ =	shalt  }
0x48: {  	_ =	shalt  }
0x49: {  	_ =	shalt  }
0x4a: {  	_ =	shalt  }
0x4b: {  	_ =	shalt  }
0x4c: {  	_ =	shalt  }
0x4d: {  	_ =	shalt  }
0x4e: {  	_ =	shalt  }
0x4f: {  	_ =	shalt  }
0x50: {  	_ =	shalt  }
0x51: {  	_ =	shalt  }
0x52: {  	_ =	shalt  }
0x53: {  	_ =	shalt  }
0x54: {  	_ =	shalt  }
0x55: {  	_ =	shalt  }
0x56: {  	_ =	shalt  }
0x57: {  	_ =	shalt  }
0x58: {  	_ =	shalt  }
0x59: {  	_ =	shalt  }
0x5a: {  	_ =	shalt  }
0x5b: {  	_ =	shalt  }
0x5c: {  	_ =	shalt  }
0x5d: {  	_ =	shalt  }
0x5e: {  	_ =	shalt  }
0x5f: {  	_ =	shalt  }
0x60: {  	_ =	shalt  }
0x61: {  	_ =	shalt  }
0x62: {  	_ =	shalt  }
0x63: {  	_ =	shalt  }
0x64: {  	_ =	shalt  }
0x65: {  	_ =	shalt  }
0x66: {  	_ =	shalt  }
0x67: {  	_ =	shalt  }
0x68: {  	_ =	shalt  }
0x69: {  	_ =	shalt  }
0x6a: {  	_ =	shalt  }
0x6b: {  	_ =	shalt  }
0x6c: {  	_ =	shalt  }
0x6d: {  	_ =	shalt  }
0x6e: {  	_ =	shalt  }
0x6f: {  	_ =	shalt  }
0x70: {  	_ =	shalt  }
0x71: {  	_ =	shalt  }
0x72: {  	_ =	shalt  }
0x73: {  	_ =	shalt  }
0x74: {  	_ =	shalt  }
0x75: {  	_ =	shalt  }
0x76: {  	_ =	shalt  }
0x77: {  	_ =	shalt  }
0x78: {  	_ =	shalt  }
0x79: {  	_ =	shalt  }
0x7a: {  	_ =	shalt  }
0x7b: {  	_ =	shalt  }
0x7c: {  	_ =	shalt  }
0x7d: {  	_ =	shalt  }
0x7e: {  	_ =	shalt  }
0x7f: {  	_ =	shalt  }
0x80: {  	_ =	shalt  }
0x81: {  	_ =	shalt  }
0x82: {  	_ =	shalt  }
0x83: {  	_ =	shalt  }
0x84: {  	_ =	shalt  }
0x85: {  	_ =	shalt  }
0x86: {  	_ =	shalt  }
0x87: {  	_ =	shalt  }
.Lfunc_end0:
.L_simem_size_0:
called_computation_lowered:
.L_overlay_start_0:
0x88: {  	s2 =	sld [smem:$0x3FD9]  }
0x89: {  	s3 =	sld [smem:$0x3FFE];
	_ =	sdelay $0x1  }
0x8a: {  	s1 =	srdreg.scid  }
0x8b: {  	s0 =	sand.u32 $0x1, s1  }
0x8c: {  	s15 =	sshll.u32 s0, $0xA;
	s2 =	sadd.s32 s3, s2  }
0x8d: {  	s2 =	sadd.s32 s2, s15  }
0x8e: {  	[smem:$0x3FC4] =	sst s2  }
0x8f: {  	_ = 	snop  }
0x90: {  	s2 =	sld [smem:$0x3FD0];
	_ =	sdelay $0x2  }
0x91: {  	s4 =	simm.s32 $0xA;
	s5 =	simm.s32 $0x10;
	s16 =	sld [smem:$0x3FC7]  }
0x92: {  	[smem:s5], [sflag:s4] =	dma.local [hbm:s2], $0x1  }
0x93: {  	_ =	swait.eq [sflag:s4], $0x1  }
0x94: {  	[sflag:s4] =	ssyncset.done $0x0  }
0x95: {  	s17 =	sld [smem:$0x10];
	[sflag:s4] =	ssyncadd.s32 $0xFFFFFFFF  }
0x96: {  	s18 =	sld [smem:$0x11];
	(tm) =	ssettm $0x1  }
0x97: {  	s19 =	sld [smem:$0x3FFB];
	_ =	sdelay $0x3  }
0x98: {  	_ =	strace s19  }
0x99: {  	s5 =	sld [smem:$0x3FFC];
	_ =	sdelay $0x3  }
0x9a: {  	_ =	strace s5  }
0x9b: {  	s5 =	sld [smem:$0x3FFD];
	_ =	sdelay $0x3  }
0x9c: {  	_ =	strace s5  }
0x9d: {  	_ =	strace $0x8FFFFFFF  }
0x9e: {  	s20 =	sld [smem:$0x3FDB];
	_ =	sdelay $0x1  }
0x9f: {  	s6 =	simm.s32 $_scs_section_size  }
0xa0: {  	s7 =	simm.s32 $_size__tile_overlayer_lowered;
	s8 =	simm.s32 $_tile_overlayer_lowered  }
0xa1: {  	s23 =	simm.s32 $0x1BFF;
	s22 =	sshll.u32 s8, $0x1;
	s5 =	sadd.s32 s6, s20  }
0xa2: {  	s9 =	simm.s32 $0x0;
	s21 =	sshll.u32 s7, $0x1;
	s7 =	sadd.s32 s22, s5  }
0xa3: {  	[timem:s9], [sflag:s23] =	dma.local [hbm:s7], s21  }
0xa4: {  	_ =	swait.ge [sflag:s23], s21  }
0xa5: {  	s6 =	ssub.s32 $0x0, s21;
	[sflag:s23] =	ssyncset.done $0x0  }
0xa6: {  	[sflag:s23] =	ssyncadd.s32 s6;
	_ =	sdelay $0x1  }
0xa7: {  	s24 =	simm.s32 $0x1B8B  }
0xa8: {  	_ =	swait.ge [sflag:s24], $0x1  }
0xa9: {  	[sflag:s24] =	ssyncset.done $0x0  }
0xaa: {  	s25 =	simm.s32 $0x1B8E;
	[sflag:s24] =	ssyncadd.s32 $0xFFFFFFFF  }
0xab: {  	s26 =	simm.s32 $execute0_lowered;
	[smem:$0x3FD2] =	sst s25  }
0xac: {  	s6 =	sshll.u32 s26, $0x1;
	_ =	strace $0x80000046;
	[dreg:$0x1] =	wrdreg $0xFFFFFFFF  }
0xad: {  	s28 =	simm.s32 $_size_execute0_lowered;
	s5 =	sadd.s32 s5, s6;
	[dreg:$0x0] =	wrdreg $0x0  }
0xae: {  	s6 =	sshll.u32 s28, $0x1;
	[dreg:$0x2] =	wrdreg s5  }
0xaf: {  	[dreg:$0x3] =	wrdreg s6  }
0xb0: {  	[dreg:$0x4] =	wrdreg $0xC0  }
0xb1: {  	_ =	task [dreg:s9], $0x5FFFF  }
0xb2: {  	[dreg:$0x1] =	wrdreg $0xFFFFFFFF  }
0xb3: {  	[dreg:$0x0] =	wrdreg $0x60  }
0xb4: {  	[dreg:$0x2] =	wrdreg s18  }
0xb5: {  	[dreg:$0x3] =	wrdreg s16  }
0xb6: {  	[dreg:$0x4] =	wrdreg s17  }
0xb7: {  	[dreg:$0x5] =	wrdreg $0x9  }
0xb8: {  	_ =	task.clear_ibuf [dreg:s9], $0x6FFFF;
	_ =	strace $0x90000046  }
0xb9: {  	s29 =	simm.s32 $0x9;
	_ =	strace $0x80000048  }
0xba: {  	_ =	swait.ge [sflag:s29], $0x1  }
0xbb: {  	[sflag:s29] =	ssyncadd.s32 $0xFFFFFFFF  }
0xbc: {  	_ =	strace $0x90000048  }
0xbd: {  	_ =	sfence  }
0xbe: {  	s30 =	sld [smem:$0x0];
	_ =	sdelay $0x2  }
0xbf: {  	s31 =	sshll.u32 s1, $0xD;
	s1 =	sshrl.u32 s1, $0x2  }
0xc0: {  	s3 =	sand.u32 $0x4000, s31;
	s1 =	sadd.s32 s1, s30  }
0xc1: {  	s0 =	sor.u32 s3, s0;
	s1 =	sshll.u32 s1, $0x11  }
0xc2: {  	s0 =	sor.u32 s1, s0  }
0xc3: {  	s0 =	sadd.s32 $0x8F2B, s0  }
0xc4: {  	[sflag:s0] =	ssyncadd.remote.s32 $0x1  }
0xc5: {  	_ =	sfence.sel $0xFFFF  }
0xc6: {  	[dreg:$0x0] =	wrdreg $0xFFFFFFFF;
	(pc) =	sbr.abs _section_cstart, $3  }
0xc7: {  	[dreg:$0x1] =	wrdreg $0xFFFFFFFF  }
0xc8: {  	_ =	task.clear_ibuf [dreg:s9], $0x2FFFF;
	_ =	strace $0x9FFFFFFF  }
0xc9: {  	(tm) =	ssettm $0x7FFFFFFF  }
tec
execute0_lowered:
.L_overlay_start_1:
0x0: {  	(tag) =	ssettag $0x1  }
0x1: {  	s4 =	rddreg [dreg:$0x0]  }
0x2: {  	s5 =	rddreg [dreg:$0x1];
	s1 =	srdreg.scid  }
0x3: {  	s0 =	stileid.u32;
	s2 =	rddreg [dreg:$0x2]  }
0x4: {  	s3 =	simm.s32 $0x0;
	s13 =	simm.s32 $0x6800;
	s14 =	simm.s32 $0x9000  }
0x5: {  	s15 =	simm.s32 $0xB800;
	s16 =	simm.s32 $0xE000;
	s17 =	simm.s32 $0x2  }
0x6: {  	s18 =	simm.s32 $0x13000;
	s19 =	simm.s32 $0x15800;
	s20 =	simm.s32 $0x18000  }
0x7: {  	s21 =	simm.s32 $0x1A800;
	s22 =	simm.s32 $0x3C00;
	s23 =	simm.s32 $0x3C80  }
0x8: {  	s24 =	simm.s32 $0x3D00;
	s25 =	simm.s32 $0x3D80;
	s26 =	simm.s32 $0x3E00  }
0x9: {  	s28 =	simm.s32 $0x0;
	s6 =	sand.u32 $0x1, s1;
	s7 =	sshll.u32 s0, $0x1  }
0xa: {  	[smem:$0x7FF] =	sst s3;
	s10 =	smul.u32 $0x4E200, s0;
	s7 =	sor.u32 s6, s7  }
0xb: {  	_ =	strace $0x80000047;
	s9 =	ssub.s32 $0x2, s6;
	s12 =	smul.u32 $0x27100, s6  }
0xc: {  	s8 =	smul.u32 $0x27100, s7;
	s11 =	sshrl.u32 s9, $0x1;
	s7 =	sshll.u32 s7, $0xB  }
0xd: {  	s31 =	sadd.s32 s10, s5;
	s10 =	simm.s32 $0x1;
	s30 =	ssub.s32 s9, s11  }
0xe: {  	s4 =	sadd.s32 s4, s7;
	s7 =	sadd.s32 s12, s31;
	s9 =	simm.s32 $0x4000  }
0xf: {  	s11 =	simm.s32 $0x10800;
	s12 =	simm.s32 $0x50;
	s5 =	sadd.s32 s5, s8  }
0x10: {  	s6 =	smax.u32 s30, $0x1;
	s7 =	sadd.s32 $0x1900, s7;
	s8 =	simm.s32 $0x3  }
.LBB2_1:
0x11: {  	[tilespmem:s3], [sflag:$0x3] =	stream.linear.gather [hbm4b:s4+s3], $0x3E80, $0x38;
	[tilespmem:$0x1D000] =	vst v63  }
0x12: {  	_ =	swait.ge [sflag:s8], $0x3E80  }
0x13: {  	[sflag:s8] =	ssyncset.done $0x0  }
0x14: {  	[sflag:s8] =	ssyncadd.s32 $0xFFFFC180  }
0x15: {  	[tilespmem:s9], [sflag:$0x1] =	stream.linear.gather [hbm4b:s5+s3], $0xC800, $0x38;
	[tilespmem:$0x1D000] =	vst v63  }
0x16: {  	_ =	swait.ge [sflag:s10], $0xC800  }
0x17: {  	[sflag:s10] =	ssyncset.done $0x0  }
0x18: {  	[sflag:s10] =	ssyncadd.s32 $0xFFFF3800  }
0x19: {  	[tilespmem:s11], [sflag:$0x1] =	stream.linear.gather [hbm4b:s7+s3], $0xC800, $0x38;
	[tilespmem:$0x1D000] =	vst v63  }
0x1a: {  	s29 =	simm.s32 $0x0  }
0x1b: {  	[hbm4b:s2+s12] =	stream.indirect.scatter [tilespmem:s9], [sflag:$0x2], $0x80, s29, s12, $0xb8;
	[tilespmem:$0x1D000] =	vst v63  }
0x1c: {  	s29 =	simm.s32 $0x80  }
0x1d: {  	[hbm4b:s2+s12] =	stream.indirect.scatter [tilespmem:s13], [sflag:$0x2], $0x80, s29, s12, $0xb8;
	[tilespmem:$0x1D000] =	vst v63  }
0x1e: {  	s29 =	simm.s32 $0x100  }
0x1f: {  	[hbm4b:s2+s12] =	stream.indirect.scatter [tilespmem:s14], [sflag:$0x2], $0x80, s29, s12, $0xb8;
	[tilespmem:$0x1D000] =	vst v63  }
0x20: {  	s29 =	simm.s32 $0x180  }
0x21: {  	[hbm4b:s2+s12] =	stream.indirect.scatter [tilespmem:s15], [sflag:$0x2], $0x80, s29, s12, $0xb8;
	[tilespmem:$0x1D000] =	vst v63  }
0x22: {  	s29 =	simm.s32 $0x200  }
0x23: {  	[hbm4b:s2+s12] =	stream.indirect.scatter [tilespmem:s16], [sflag:$0x2], $0x80, s29, s12, $0xb8;
	[tilespmem:$0x1D000] =	vst v63  }
0x24: {  	_ =	swait.ge [sflag:s10], $0xC800  }
0x25: {  	[sflag:s10] =	ssyncset.done $0x0  }
0x26: {  	[sflag:s10] =	ssyncadd.s32 $0xFFFF3800  }
0x27: {  	_ =	swait.ge [sflag:s17], $0x2800  }
0x28: {  	[sflag:s17] =	ssyncset.done $0x0  }
0x29: {  	[sflag:s17] =	ssyncadd.s32 $0xFFFFD800  }
0x2a: {  	_ =	swait.ge [sflag:s17], $0x2800  }
0x2b: {  	[sflag:s17] =	ssyncset.done $0x0  }
0x2c: {  	[sflag:s17] =	ssyncadd.s32 $0xFFFFD800  }
0x2d: {  	_ =	swait.ge [sflag:s17], $0x2800  }
0x2e: {  	[sflag:s17] =	ssyncset.done $0x0  }
0x2f: {  	[sflag:s17] =	ssyncadd.s32 $0xFFFFD800  }
0x30: {  	_ =	swait.ge [sflag:s17], $0x2800  }
0x31: {  	[sflag:s17] =	ssyncset.done $0x0  }
0x32: {  	[sflag:s17] =	ssyncadd.s32 $0xFFFFD800  }
0x33: {  	_ =	swait.ge [sflag:s17], $0x2800  }
0x34: {  	[sflag:s17] =	ssyncset.done $0x0  }
0x35: {  	s29 =	sadd.s32 $0x1900, s7;
	[sflag:s17] =	ssyncadd.s32 $0xFFFFD800  }
0x36: {  	[tilespmem:s9], [sflag:$0x1] =	stream.linear.gather [hbm4b:s29+s3], $0xC800, $0x38;
	[tilespmem:$0x1D000] =	vst v63  }
0x37: {  	s29 =	simm.s32 $0x280  }
0x38: {  	[hbm4b:s2+s12] =	stream.indirect.scatter [tilespmem:s11], [sflag:$0x2], $0x80, s29, s12, $0xb8;
	[tilespmem:$0x1D000] =	vst v63  }
0x39: {  	s29 =	simm.s32 $0x300  }
0x3a: {  	[hbm4b:s2+s12] =	stream.indirect.scatter [tilespmem:s18], [sflag:$0x2], $0x80, s29, s12, $0xb8;
	[tilespmem:$0x1D000] =	vst v63  }
0x3b: {  	s29 =	simm.s32 $0x380  }
0x3c: {  	[hbm4b:s2+s12] =	stream.indirect.scatter [tilespmem:s19], [sflag:$0x2], $0x80, s29, s12, $0xb8;
	[tilespmem:$0x1D000] =	vst v63  }
0x3d: {  	s29 =	simm.s32 $0x400  }
0x3e: {  	[hbm4b:s2+s12] =	stream.indirect.scatter [tilespmem:s20], [sflag:$0x2], $0x80, s29, s12, $0xb8;
	[tilespmem:$0x1D000] =	vst v63  }
0x3f: {  	s29 =	simm.s32 $0x480  }
0x40: {  	[hbm4b:s2+s12] =	stream.indirect.scatter [tilespmem:s21], [sflag:$0x2], $0x80, s29, s12, $0xb8;
	[tilespmem:$0x1D000] =	vst v63  }
0x41: {  	_ =	swait.ge [sflag:s17], $0x2800  }
0x42: {  	[sflag:s17] =	ssyncset.done $0x0  }
0x43: {  	[sflag:s17] =	ssyncadd.s32 $0xFFFFD800  }
0x44: {  	_ =	swait.ge [sflag:s17], $0x2800  }
0x45: {  	[sflag:s17] =	ssyncset.done $0x0  }
0x46: {  	[sflag:s17] =	ssyncadd.s32 $0xFFFFD800  }
0x47: {  	_ =	swait.ge [sflag:s17], $0x2800  }
0x48: {  	[sflag:s17] =	ssyncset.done $0x0  }
0x49: {  	[sflag:s17] =	ssyncadd.s32 $0xFFFFD800  }
0x4a: {  	_ =	swait.ge [sflag:s17], $0x2800  }
0x4b: {  	[sflag:s17] =	ssyncset.done $0x0  }
0x4c: {  	[sflag:s17] =	ssyncadd.s32 $0xFFFFD800  }
0x4d: {  	_ =	swait.ge [sflag:s17], $0x2800  }
0x4e: {  	s30 =	smov.u32 s7;
	s29 =	simm.s32 $0x1400;
	[sflag:s17] =	ssyncset.done $0x0  }
.LBB2_2:
0x4f: {  	p0 =	sne.s32 s29, $0xDC00;
	[sflag:s17] =	ssyncadd.s32 $0xFFFFD800;
	s30 =	sadd.s32 $0x3200, s30  }
0x50: {  	s31 =	smov.u32 s29;
	s29 =	sadd.s32 $0x1400, s29;
	_ =	swait.ge [sflag:s10], $0xC800  }
0x51: {  	[sflag:s10] =	ssyncset.done $0x0  }
0x52: {  	[sflag:s10] =	ssyncadd.s32 $0xFFFF3800  }
0x53: {  	[tilespmem:s11], [sflag:$0x1] =	stream.linear.gather [hbm4b:s30+s3], $0xC800, $0x38;
	[tilespmem:$0x1D000] =	vst v63  }
0x54: {  	s31 =	sshra.s32 s31, $0x2  }
0x55: {  	[hbm4b:s2+s12] =	stream.indirect.scatter [tilespmem:s9], [sflag:$0x2], $0x80, s31, s12, $0xb8;
	[tilespmem:$0x1D000] =	vst v63  }
0x56: {  	s1 =	sadd.s32 $0x80, s31  }
0x57: {  	[hbm4b:s2+s12] =	stream.indirect.scatter [tilespmem:s13], [sflag:$0x2], $0x80, s1, s12, $0xb8;
	[tilespmem:$0x1D000] =	vst v63  }
0x58: {  	s1 =	sadd.s32 $0x100, s31  }
0x59: {  	[hbm4b:s2+s12] =	stream.indirect.scatter [tilespmem:s14], [sflag:$0x2], $0x80, s1, s12, $0xb8;
	[tilespmem:$0x1D000] =	vst v63  }
0x5a: {  	s1 =	sadd.s32 $0x180, s31  }
0x5b: {  	[hbm4b:s2+s12] =	stream.indirect.scatter [tilespmem:s15], [sflag:$0x2], $0x80, s1, s12, $0xb8;
	[tilespmem:$0x1D000] =	vst v63  }
0x5c: {  	s1 =	sadd.s32 $0x200, s31  }
0x5d: {  	[hbm4b:s2+s12] =	stream.indirect.scatter [tilespmem:s16], [sflag:$0x2], $0x80, s1, s12, $0xb8;
	[tilespmem:$0x1D000] =	vst v63  }
0x5e: {  	_ =	swait.ge [sflag:s10], $0xC800  }
0x5f: {  	[sflag:s10] =	ssyncset.done $0x0  }
0x60: {  	[sflag:s10] =	ssyncadd.s32 $0xFFFF3800  }
0x61: {  	_ =	swait.ge [sflag:s17], $0x2800  }
0x62: {  	[sflag:s17] =	ssyncset.done $0x0  }
0x63: {  	[sflag:s17] =	ssyncadd.s32 $0xFFFFD800  }
0x64: {  	_ =	swait.ge [sflag:s17], $0x2800  }
0x65: {  	[sflag:s17] =	ssyncset.done $0x0  }
0x66: {  	[sflag:s17] =	ssyncadd.s32 $0xFFFFD800  }
0x67: {  	_ =	swait.ge [sflag:s17], $0x2800  }
0x68: {  	[sflag:s17] =	ssyncset.done $0x0  }
0x69: {  	[sflag:s17] =	ssyncadd.s32 $0xFFFFD800  }
0x6a: {  	_ =	swait.ge [sflag:s17], $0x2800  }
0x6b: {  	[sflag:s17] =	ssyncset.done $0x0  }
0x6c: {  	[sflag:s17] =	ssyncadd.s32 $0xFFFFD800  }
0x6d: {  	_ =	swait.ge [sflag:s17], $0x2800  }
0x6e: {  	[sflag:s17] =	ssyncset.done $0x0  }
0x6f: {  	s1 =	sadd.s32 $0x1900, s30;
	[sflag:s17] =	ssyncadd.s32 $0xFFFFD800  }
0x70: {  	[tilespmem:s9], [sflag:$0x1] =	stream.linear.gather [hbm4b:s1+s3], $0xC800, $0x38;
	[tilespmem:$0x1D000] =	vst v63  }
0x71: {  	s1 =	sadd.s32 $0x280, s31  }
0x72: {  	[hbm4b:s2+s12] =	stream.indirect.scatter [tilespmem:s11], [sflag:$0x2], $0x80, s1, s12, $0xb8;
	[tilespmem:$0x1D000] =	vst v63  }
0x73: {  	s1 =	sadd.s32 $0x300, s31  }
0x74: {  	[hbm4b:s2+s12] =	stream.indirect.scatter [tilespmem:s18], [sflag:$0x2], $0x80, s1, s12, $0xb8;
	[tilespmem:$0x1D000] =	vst v63  }
0x75: {  	s1 =	sadd.s32 $0x380, s31  }
0x76: {  	[hbm4b:s2+s12] =	stream.indirect.scatter [tilespmem:s19], [sflag:$0x2], $0x80, s1, s12, $0xb8;
	[tilespmem:$0x1D000] =	vst v63  }
0x77: {  	s1 =	sadd.s32 $0x400, s31  }
0x78: {  	[hbm4b:s2+s12] =	stream.indirect.scatter [tilespmem:s20], [sflag:$0x2], $0x80, s1, s12, $0xb8;
	[tilespmem:$0x1D000] =	vst v63  }
0x79: {  	s1 =	sadd.s32 $0x480, s31  }
0x7a: {  	[hbm4b:s2+s12] =	stream.indirect.scatter [tilespmem:s21], [sflag:$0x2], $0x80, s1, s12, $0xb8;
	[tilespmem:$0x1D000] =	vst v63  }
0x7b: {  	_ =	swait.ge [sflag:s17], $0x2800  }
0x7c: {  	[sflag:s17] =	ssyncset.done $0x0  }
0x7d: {  	[sflag:s17] =	ssyncadd.s32 $0xFFFFD800  }
0x7e: {  	_ =	swait.ge [sflag:s17], $0x2800  }
0x7f: {  	[sflag:s17] =	ssyncset.done $0x0  }
0x80: {  	[sflag:s17] =	ssyncadd.s32 $0xFFFFD800  }
0x81: {  	_ =	swait.ge [sflag:s17], $0x2800  }
0x82: {  	[sflag:s17] =	ssyncset.done $0x0  }
0x83: {  	[sflag:s17] =	ssyncadd.s32 $0xFFFFD800  }
.Ltmp0:
0x84: {  	_ =	swait.ge [sflag:s17], $0x2800;
	(pc) =	sbr.rel @p0 .LBB2_2-.Ltmp0, $4  }
0x85: {  	[sflag:s17] =	ssyncset.done $0x0  }
0x86: {  	[sflag:s17] =	ssyncadd.s32 $0xFFFFD800  }
0x87: {  	_ =	swait.ge [sflag:s17], $0x2800  }
0x88: {  	[sflag:s17] =	ssyncset.done $0x0  }
0x89: {  	[sflag:s17] =	ssyncadd.s32 $0xFFFFD800  }
0x8a: {  	_ =	swait.ge [sflag:s10], $0xC800  }
0x8b: {  	[sflag:s10] =	ssyncset.done $0x0  }
0x8c: {  	[sflag:s10] =	ssyncadd.s32 $0xFFFF3800  }
0x8d: {  	[hbm4b:s2+s12] =	stream.indirect.scatter [tilespmem:s9], [sflag:$0x2], $0x80, s22, s12, $0xb8;
	[tilespmem:$0x1D000] =	vst v63  }
0x8e: {  	_ = 	snop  }
0x8f: {  	[hbm4b:s2+s12] =	stream.indirect.scatter [tilespmem:s13], [sflag:$0x2], $0x80, s23, s12, $0xb8;
	[tilespmem:$0x1D000] =	vst v63  }
0x90: {  	_ = 	snop  }
0x91: {  	[hbm4b:s2+s12] =	stream.indirect.scatter [tilespmem:s14], [sflag:$0x2], $0x80, s24, s12, $0xb8;
	[tilespmem:$0x1D000] =	vst v63  }
0x92: {  	_ = 	snop  }
0x93: {  	[hbm4b:s2+s12] =	stream.indirect.scatter [tilespmem:s15], [sflag:$0x2], $0x80, s25, s12, $0xb8;
	[tilespmem:$0x1D000] =	vst v63  }
0x94: {  	_ = 	snop  }
0x95: {  	[hbm4b:s2+s12] =	stream.indirect.scatter [tilespmem:s16], [sflag:$0x2], $0x80, s26, s12, $0xb8;
	[tilespmem:$0x1D000] =	vst v63  }
0x96: {  	_ =	swait.ge [sflag:s17], $0x2800  }
0x97: {  	[sflag:s17] =	ssyncset.done $0x0  }
0x98: {  	[sflag:s17] =	ssyncadd.s32 $0xFFFFD800  }
0x99: {  	_ =	swait.ge [sflag:s17], $0x2800  }
0x9a: {  	[sflag:s17] =	ssyncset.done $0x0  }
0x9b: {  	[sflag:s17] =	ssyncadd.s32 $0xFFFFD800  }
0x9c: {  	_ =	swait.ge [sflag:s17], $0x2800  }
0x9d: {  	[sflag:s17] =	ssyncset.done $0x0  }
0x9e: {  	s28 =	sadd.s32 $0x1, s28;
	[sflag:s17] =	ssyncadd.s32 $0xFFFFD800  }
0x9f: {  	p0 =	sne.s32 s28, s6;
	_ =	swait.ge [sflag:s17], $0x2800  }
.Ltmp1:
0xa0: {  	[sflag:s17] =	ssyncset.done $0x0;
	(pc) =	sbr.rel @p0 .LBB2_1-.Ltmp1, $4  }
0xa1: {  	[sflag:s17] =	ssyncadd.s32 $0xFFFFD800  }
0xa2: {  	_ =	swait.ge [sflag:s17], $0x2800  }
0xa3: {  	[sflag:s17] =	ssyncset.done $0x0  }
0xa4: {  	[sflag:s17] =	ssyncadd.s32 $0xFFFFD800  }
0xa5: {  	_ =	sfence.sel $0x180000  }
0xa6: {  	[bflag:$0x0] =	sbarrier.arrive $0xFFFF  }
0xa7: {  	_ =	strace $0x90000047  }
0xa8: {  	[bflag:$0x2] =	sbarrier.arrive $0xFFFF  }
0xa9: {  	p0 =	sne.s32 s0, $0x0;
	s0 =	rddreg [dreg:$0x3]  }
0xaa: {  	s0 =	sadd.s32 @!p0 $0x100000, s0  }
0xab: {  	[sflag:s0] =	ssyncadd.tile.s32 @!p0 $0x1;
	_ =	shalt  }
.Lfunc_end2:
_tile_overlayer_lowered:
.L_overlay_start_2:
0xac: {  	(tag) =	ssettag $0x2  }
0xad: {  	s0 =	rddreg [dreg:$0x0];
	s2 =	stileid.u32  }
0xae: {  	s1 =	rddreg [dreg:$0x1];
	p0 =	sne.s32 s2, $0x0  }
0xaf: {  	s3 =	rddreg [dreg:$0x2];
	[bflag:$0x3] =	sbarrier.arrive $0xFFFF;
	s2 =	simm.s32 @!p0 $0x1C03  }
0xb0: {  	[timem:s3], [sflag:s2] =	dma.local @!p0 [hbm:s0], s1  }
0xb1: {  	s0 =	simm.s32 @!p0 $0x3  }
0xb2: {  	_ =	swait.ge @!p0 [sflag:s0], s1  }
0xb3: {  	s1 =	ssub.s32 @!p0 $0x0, s1;
	[sflag:s0] =	ssyncset.done @!p0 $0x0  }
0xb4: {  	[sflag:s0] =	ssyncadd.s32 @!p0 s1  }
0xb5: {  	[bflag:$0x3] =	sbarrier.arrive $0xFFFF  }
0xb6: {  	_ =	shalt  }

</sc_bundles>
